<compile_context>
chip_gen: v7x
topology: tpu7x:2x2x1
jax: 0.10.2.dev20260603
libtpu: 0.0.44.dev20260713+nightly
codegen_flags: <defaults>
</compile_context>

<pallas_src>
import functools

import jax
import jax.numpy as jnp
from jax import lax
from jax.experimental import pallas as pl
from jax.experimental.pallas import tpu as pltpu
from jax.experimental.pallas import tpu_sc as plsc

_DP = 32
_GB = 4

_INFO = plsc.get_sparse_core_info()
_NC = _INFO.num_cores
_NS = _INFO.num_subcores
_NW = _NC * _NS


@functools.cache
def _build(B, S):
  rows_per_w = B // _NW
  ng = rows_per_w // _GB
  chunks = []
  s0 = 0
  while s0 < S:
    c = min(128, S - s0)
    chunks.append((s0, c))
    s0 += c
  mesh = plsc.VectorSubcoreMesh(core_axis_name="c", subcore_axis_name="s")

  @functools.partial(
      pl.kernel, mesh=mesh,
      out_type=jax.ShapeDtypeStruct((B, S, _DP), jnp.float32),
      compiler_params=pltpu.CompilerParams(use_tc_tiling_on_sc=False),
      scratch_types=[
          pltpu.VMEM((2, _GB, S), jnp.int32),
          pltpu.VMEM((2, _GB, S, _DP), jnp.float32),
          pltpu.SemaphoreType.DMA,
          pltpu.SemaphoreType.DMA,
      ],
  )
  def gather_kernel(idx_hbm, table_hbm, out_hbm, idx_v, rows_v, semg, semo):
    wid = lax.axis_index("s") * _NC + lax.axis_index("c")
    base = wid * rows_per_w

    def fire(g, p):
      b0 = base + g * _GB
      pltpu.sync_copy(idx_hbm.at[pl.ds(b0, _GB)], idx_v.at[p])
      copies = []
      for bi in range(_GB):
        for (s0, c) in chunks:
          copies.append(pltpu.async_copy(
              table_hbm.at[idx_v.at[p, bi, pl.ds(s0, c)]],
              rows_v.at[p, bi, pl.ds(s0, c)], semg))
      return copies

    def drain_and_store(g, p, copies):
      for cp in copies:
        cp.wait()
      b0 = base + g * _GB
      return pltpu.async_copy(rows_v.at[p], out_hbm.at[pl.ds(b0, _GB)], semo)

    def drain_outputs():
      for p in range(2):
        pltpu.make_async_copy(
            rows_v.at[p], out_hbm.at[pl.ds(base, _GB)], semo).wait()

    def step(k, carry):
      ga, gb = 2 * k, 2 * k + 1

      @pl.when(k > 0)
      def _():
        drain_outputs()

      ca = fire(ga, 0)
      cb = fire(gb, 1)
      drain_and_store(ga, 0, ca)
      drain_and_store(gb, 1, cb)
      return carry

    lax.fori_loop(0, ng // 2, step, 0)
    drain_outputs()

  return gather_kernel


def kernel(indices, table):
  B, S = indices.shape
  V, D = table.shape
  idx = indices.astype(jnp.int32)
  tab = jnp.concatenate([table, table[:, :_DP - D]], axis=1)
  out = _build(B, S)(idx, tab)
  return out[:, :, :D]

# --- scband reference (transcript-rebuilt; emitter-appended) ---
"""Pipeline reference for scband-plenoxel-model-41455024341760 (READ-ONLY COPY).

The authoritative reference and input builder live on the scoring server;
editing this copy changes nothing except your own understanding.
"""

import jax, jax.numpy as jnp
import numpy as np

NUM_EMBEDDINGS = 2097152  # 128^3 voxel grid flattened
EMBEDDING_DIM = 28        # VoxelGrid.VOXEL_DIMENSION (1 density + 27 SH coeffs)
BATCH = 16384             # rays
SAMPLES = 192             # samples per ray


def setup_inputs(seed: int = 0) -> dict:
    key = jax.random.key(seed)
    k1, k2 = jax.random.split(key)
    table = jax.random.normal(k1, (NUM_EMBEDDINGS, EMBEDDING_DIM), dtype=jnp.float32)
    indices = jax.random.randint(k2, (BATCH, SAMPLES), 0, NUM_EMBEDDINGS, dtype=jnp.int64)
    return {"indices": indices, "table": table}


def reference(indices, table):
    # VoxelGrid.at(x, y, z) casts coordinates to int and indexes the grid:
    # voxel_grid[int(x), int(y), int(z)] -> nearest-voxel gather over a
    # flattened [GX*GY*GZ, VOXEL_DIMENSION] table.
    out = jnp.take(table, indices, axis=0)  # [BATCH, SAMPLES, EMBEDDING_DIM]
    return out

if __name__ == "__main__":
    import jax
    _d = setup_inputs()
    print(jax.jit(kernel)(*tuple(_d.values())))

</pallas_src>

<mosaic_0001>
#map = affine_map<(d0, d1) -> (0, 0)>
#map1 = affine_map<(d0, d1) -> (0, 0, 0)>
module attributes {stable_mosaic.version = 14 : i64} {
  func.func @gather_kernel(%arg0: i32, %arg1: i32, %arg2: memref<16384x192xi32, #tpu.memory_space<hbm>>, %arg3: memref<2097152x32xf32, #tpu.memory_space<hbm>>, %arg4: memref<16384x192x32xf32, #tpu.memory_space<hbm>>, %arg5: memref<2x4x192xi32, #tpu.memory_space<vmem>>, %arg6: memref<2x4x192x32xf32, #tpu.memory_space<vmem>>, %arg7: memref<!tpu.dma_semaphore, #tpu.memory_space<semaphore_mem>>, %arg8: memref<!tpu.dma_semaphore, #tpu.memory_space<semaphore_mem>>) attributes {dimension_semantics = [#tpu.dimension_semantics<core_parallel>, #tpu.dimension_semantics<subcore_parallel>], iteration_bounds = array<i64: 2, 16>, scalar_prefetch = 0 : i64, scratch_operands = 4 : i64, tpu.core_type = #tpu.core_type<sc_vector_subcore>, window_params = [{transform_indices = #map}, {transform_indices = #map}, {transform_indices = #map1}]} {
    %mul3A = arith.constant 2 : i32
    %mul3A_0 = arith.muli %arg1, %mul3A : i32
    %add3A = arith.addi %mul3A_0, %arg0 : i32
    %mul3A_1 = arith.constant 512 : i32
    %mul3A_2 = arith.muli %add3A, %mul3A_1 : i32
    %scan3A = arith.constant 0 : i32
    %scan3A_3 = arith.constant 0 : i32
    %scan3A_4 = arith.constant 64 : i32
    %scan3A_5 = arith.addi %scan3A_3, %scan3A_4 : i32
    %scan3A_6 = arith.constant 1 : i32
    scf.for %scan3A_41 = %scan3A_3 to %scan3A_5 step %scan3A_6  : i32 {
      %mul3A_42 = arith.constant 2 : i32
      %mul3A_43 = arith.muli %mul3A_42, %scan3A_41 : i32
      %mul3A_44 = arith.constant 2 : i32
      %mul3A_45 = arith.muli %mul3A_44, %scan3A_41 : i32
      %add3A_46 = arith.constant 1 : i32
      %add3A_47 = arith.addi %mul3A_45, %add3A_46 : i32
      %gt3A = arith.constant 0 : i32
      %gt3A_48 = arith.cmpi sgt, %scan3A_41, %gt3A : i32
      %convert_element_type3A = arith.extui %gt3A_48 : i1 to i32
      %cond3A = arith.constant 0 : i32
      %cond3A_49 = arith.cmpi ne, %convert_element_type3A, %cond3A : i32
      scf.if %cond3A_49 {
        %dma_wait3A_544 = arith.constant 0 : i32
        %dma_wait3A_545 = arith.constant 0 : i32
        %dma_wait3A_546 = arith.constant 0 : i32
        %dma_wait3A_547 = arith.constant 0 : i32
        %dma_wait3A_548 = tpu.memref_slice %arg6[%dma_wait3A_544, %dma_wait3A_545, %dma_wait3A_546, %dma_wait3A_547] : memref<2x4x192x32xf32, #tpu.memory_space<vmem>> -> memref<1x4x192x32xf32, #tpu.memory_space<vmem>>
        %dma_wait3A_549 = tpu.memref_squeeze %dma_wait3A_548 : memref<1x4x192x32xf32, #tpu.memory_space<vmem>> -> memref<4x192x32xf32, #tpu.memory_space<vmem>>
        %dma_wait3A_550 = arith.constant 0 : i32
        %dma_wait3A_551 = arith.constant 0 : i32
        %dma_wait3A_552 = tpu.memref_slice %arg4[%mul3A_2, %dma_wait3A_550, %dma_wait3A_551] : memref<16384x192x32xf32, #tpu.memory_space<hbm>> -> memref<4x192x32xf32, #tpu.memory_space<hbm>>
        %dma_wait3A_553 = arith.constant 0 : i32
        %dma_wait3A_554 = arith.constant 0 : i32
        %dma_wait3A_555 = tpu.memref_slice %arg4[%mul3A_2, %dma_wait3A_553, %dma_wait3A_554] : memref<16384x192x32xf32, #tpu.memory_space<hbm>> -> memref<4x192x32xf32, #tpu.memory_space<hbm>>
        %dma_wait3A_556 = arith.constant 0 : i32
        %dma_wait3A_557 = arith.constant 0 : i32
        %dma_wait3A_558 = arith.constant 0 : i32
        %dma_wait3A_559 = tpu.memref_slice %arg6[%dma_wait3A_544, %dma_wait3A_556, %dma_wait3A_557, %dma_wait3A_558] : memref<2x4x192x32xf32, #tpu.memory_space<vmem>> -> memref<1x4x192x32xf32, #tpu.memory_space<vmem>>
        %dma_wait3A_560 = tpu.memref_squeeze %dma_wait3A_559 : memref<1x4x192x32xf32, #tpu.memory_space<vmem>> -> memref<4x192x32xf32, #tpu.memory_space<vmem>>
        tpu.wait_dma2 semaphore(%arg8 : memref<!tpu.dma_semaphore, #tpu.memory_space<semaphore_mem>>) src(%dma_wait3A_560 : memref<4x192x32xf32, #tpu.memory_space<vmem>>) dst(%dma_wait3A_555 : memref<4x192x32xf32, #tpu.memory_space<hbm>>)
        %dma_wait3A_561 = arith.constant 1 : i32
        %dma_wait3A_562 = arith.constant 0 : i32
        %dma_wait3A_563 = arith.constant 0 : i32
        %dma_wait3A_564 = arith.constant 0 : i32
        %dma_wait3A_565 = tpu.memref_slice %arg6[%dma_wait3A_561, %dma_wait3A_562, %dma_wait3A_563, %dma_wait3A_564] : memref<2x4x192x32xf32, #tpu.memory_space<vmem>> -> memref<1x4x192x32xf32, #tpu.memory_space<vmem>>
        %dma_wait3A_566 = tpu.memref_squeeze %dma_wait3A_565 : memref<1x4x192x32xf32, #tpu.memory_space<vmem>> -> memref<4x192x32xf32, #tpu.memory_space<vmem>>
        %dma_wait3A_567 = arith.constant 0 : i32
        %dma_wait3A_568 = arith.constant 0 : i32
        %dma_wait3A_569 = tpu.memref_slice %arg4[%mul3A_2, %dma_wait3A_567, %dma_wait3A_568] : memref<16384x192x32xf32, #tpu.memory_space<hbm>> -> memref<4x192x32xf32, #tpu.memory_space<hbm>>
        %dma_wait3A_570 = arith.constant 0 : i32
        %dma_wait3A_571 = arith.constant 0 : i32
        %dma_wait3A_572 = tpu.memref_slice %arg4[%mul3A_2, %dma_wait3A_570, %dma_wait3A_571] : memref<16384x192x32xf32, #tpu.memory_space<hbm>> -> memref<4x192x32xf32, #tpu.memory_space<hbm>>
        %dma_wait3A_573 = arith.constant 0 : i32
        %dma_wait3A_574 = arith.constant 0 : i32
        %dma_wait3A_575 = arith.constant 0 : i32
        %dma_wait3A_576 = tpu.memref_slice %arg6[%dma_wait3A_561, %dma_wait3A_573, %dma_wait3A_574, %dma_wait3A_575] : memref<2x4x192x32xf32, #tpu.memory_space<vmem>> -> memref<1x4x192x32xf32, #tpu.memory_space<vmem>>
        %dma_wait3A_577 = tpu.memref_squeeze %dma_wait3A_576 : memref<1x4x192x32xf32, #tpu.memory_space<vmem>> -> memref<4x192x32xf32, #tpu.memory_space<vmem>>
        tpu.wait_dma2 semaphore(%arg8 : memref<!tpu.dma_semaphore, #tpu.memory_space<semaphore_mem>>) src(%dma_wait3A_577 : memref<4x192x32xf32, #tpu.memory_space<vmem>>) dst(%dma_wait3A_572 : memref<4x192x32xf32, #tpu.memory_space<hbm>>)
      } else {
      }
      %mul3A_50 = arith.constant 4 : i32
      %mul3A_51 = arith.muli %mul3A_43, %mul3A_50 : i32
      %add3A_52 = arith.addi %mul3A_2, %mul3A_51 : i32
      %run_scoped3A = arith.constant 0 : i32
      "tpu.region"() ({
        %run_scoped3A_544 = tpu.sem_alloc : memref<!tpu.dma_semaphore, #tpu.memory_space<semaphore_mem>>
        %dma_start3A_545 = arith.constant 0 : i32
        %dma_start3A_546 = arith.constant 0 : i32
        %dma_start3A_547 = tpu.memref_slice %arg5[%run_scoped3A, %dma_start3A_545, %dma_start3A_546] : memref<2x4x192xi32, #tpu.memory_space<vmem>> -> memref<1x4x192xi32, #tpu.memory_space<vmem>>
        %dma_start3A_548 = tpu.memref_squeeze %dma_start3A_547 : memref<1x4x192xi32, #tpu.memory_space<vmem>> -> memref<4x192xi32, #tpu.memory_space<vmem>>
        %dma_start3A_549 = arith.constant 0 : i32
        %dma_start3A_550 = tpu.memref_slice %arg2[%add3A_52, %dma_start3A_549] : memref<16384x192xi32, #tpu.memory_space<hbm>> -> memref<4x192xi32, #tpu.memory_space<hbm>>
        %dma_start3A_551 = arith.constant 0 : i32
        %dma_start3A_552 = arith.constant 0 : i32
        %dma_start3A_553 = tpu.memref_slice %arg5[%run_scoped3A, %dma_start3A_551, %dma_start3A_552] : memref<2x4x192xi32, #tpu.memory_space<vmem>> -> memref<1x4x192xi32, #tpu.memory_space<vmem>>
        %dma_start3A_554 = tpu.memref_squeeze %dma_start3A_553 : memref<1x4x192xi32, #tpu.memory_space<vmem>> -> memref<4x192xi32, #tpu.memory_space<vmem>>
        %dma_start3A_555 = arith.constant 0 : i32
        %dma_start3A_556 = tpu.memref_slice %arg2[%add3A_52, %dma_start3A_555] : memref<16384x192xi32, #tpu.memory_space<hbm>> -> memref<4x192xi32, #tpu.memory_space<hbm>>
        tpu.enqueue_dma source(%dma_start3A_556 : memref<4x192xi32, #tpu.memory_space<hbm>>) target(%dma_start3A_554 : memref<4x192xi32, #tpu.memory_space<vmem>>) target_semaphore(%run_scoped3A_544 : memref<!tpu.dma_semaphore, #tpu.memory_space<semaphore_mem>>)
        %dma_wait3A_557 = arith.constant 0 : i32
        %dma_wait3A_558 = arith.constant 0 : i32
        %dma_wait3A_559 = tpu.memref_slice %arg5[%run_scoped3A, %dma_wait3A_557, %dma_wait3A_558] : memref<2x4x192xi32, #tpu.memory_space<vmem>> -> memref<1x4x192xi32, #tpu.memory_space<vmem>>
        %dma_wait3A_560 = tpu.memref_squeeze %dma_wait3A_559 : memref<1x4x192xi32, #tpu.memory_space<vmem>> -> memref<4x192xi32, #tpu.memory_space<vmem>>
        %dma_wait3A_561 = arith.constant 0 : i32
        %dma_wait3A_562 = tpu.memref_slice %arg2[%add3A_52, %dma_wait3A_561] : memref<16384x192xi32, #tpu.memory_space<hbm>> -> memref<4x192xi32, #tpu.memory_space<hbm>>
        %dma_wait3A_563 = arith.constant 0 : i32
        %dma_wait3A_564 = arith.constant 0 : i32
        %dma_wait3A_565 = tpu.memref_slice %arg5[%run_scoped3A, %dma_wait3A_563, %dma_wait3A_564] : memref<2x4x192xi32, #tpu.memory_space<vmem>> -> memref<1x4x192xi32, #tpu.memory_space<vmem>>
        %dma_wait3A_566 = tpu.memref_squeeze %dma_wait3A_565 : memref<1x4x192xi32, #tpu.memory_space<vmem>> -> memref<4x192xi32, #tpu.memory_space<vmem>>
        %dma_wait3A_567 = arith.constant 0 : i32
        %dma_wait3A_568 = tpu.memref_slice %arg2[%add3A_52, %dma_wait3A_567] : memref<16384x192xi32, #tpu.memory_space<hbm>> -> memref<4x192xi32, #tpu.memory_space<hbm>>
        tpu.wait_dma2 semaphore(%run_scoped3A_544 : memref<!tpu.dma_semaphore, #tpu.memory_space<semaphore_mem>>) src(%dma_wait3A_568 : memref<4x192xi32, #tpu.memory_space<hbm>>) dst(%dma_wait3A_566 : memref<4x192xi32, #tpu.memory_space<vmem>>)
        tpu.yield
      }) : () -> ()
      %dma_start3A = arith.constant 0 : i32
      %dma_start3A_53 = arith.constant 0 : i32
      %dma_start3A_54 = arith.constant 0 : i32
      %dma_start3A_55 = arith.constant 0 : i32
      %dma_start3A_56 = arith.constant 0 : i32
      %dma_start3A_57 = arith.constant 0 : i32
      %dma_start3A_58 = tpu.memref_slice %arg6[%dma_start3A_54, %dma_start3A_55, %dma_start3A_56, %dma_start3A_57] : memref<2x4x192x32xf32, #tpu.memory_space<vmem>> -> memref<1x1x128x32xf32, #tpu.memory_space<vmem>>
      %dma_start3A_59 = tpu.memref_squeeze %dma_start3A_58 : memref<1x1x128x32xf32, #tpu.memory_space<vmem>> -> memref<128x32xf32, #tpu.memory_space<vmem>>
      %dma_start3A_60 = arith.constant 0 : i32
      %dma_start3A_61 = tpu.memref_slice %arg5[%dma_start3A, %dma_start3A_53, %dma_start3A_60] : memref<2x4x192xi32, #tpu.memory_space<vmem>> -> memref<1x1x128xi32, #tpu.memory_space<vmem>>
      %dma_start3A_62 = tpu.memref_squeeze %dma_start3A_61 : memref<1x1x128xi32, #tpu.memory_space<vmem>> -> memref<128xi32, #tpu.memory_space<vmem>>
      %dma_start3A_63 = arith.constant 0 : i32
      %dma_start3A_64 = arith.constant 0 : i32
      %dma_start3A_65 = tpu.memref_slice %arg3[%dma_start3A_63, %dma_start3A_64] : memref<2097152x32xf32, #tpu.memory_space<hbm>> -> memref<2097152x32xf32, #tpu.memory_space<hbm>>
      tpu.enqueue_indirect_dma source(%dma_start3A_65 : memref<2097152x32xf32, #tpu.memory_space<hbm>>) target(%dma_start3A_59 : memref<128x32xf32, #tpu.memory_space<vmem>>) offsets(%dma_start3A_62 : memref<128xi32, #tpu.memory_space<vmem>>) semaphore(%arg7 : memref<!tpu.dma_semaphore, #tpu.memory_space<semaphore_mem>>)
      %dma_start3A_66 = arith.constant 0 : i32
      %dma_start3A_67 = arith.constant 0 : i32
      %dma_start3A_68 = arith.constant 0 : i32
      %dma_start3A_69 = arith.constant 0 : i32
      %dma_start3A_70 = arith.constant 128 : i32
      %dma_start3A_71 = arith.constant 0 : i32
      %dma_start3A_72 = tpu.memref_slice %arg6[%dma_start3A_68, %dma_start3A_69, %dma_start3A_70, %dma_start3A_71] : memref<2x4x192x32xf32, #tpu.memory_space<vmem>> -> memref<1x1x64x32xf32, #tpu.memory_space<vmem>>
      %dma_start3A_73 = tpu.memref_squeeze %dma_start3A_72 : memref<1x1x64x32xf32, #tpu.memory_space<vmem>> -> memref<64x32xf32, #tpu.memory_space<vmem>>
      %dma_start3A_74 = arith.constant 128 : i32
      %dma_start3A_75 = tpu.memref_slice %arg5[%dma_start3A_66, %dma_start3A_67, %dma_start3A_74] : memref<2x4x192xi32, #tpu.memory_space<vmem>> -> memref<1x1x64xi32, #tpu.memory_space<vmem>>
      %dma_start3A_76 = tpu.memref_squeeze %dma_start3A_75 : memref<1x1x64xi32, #tpu.memory_space<vmem>> -> memref<64xi32, #tpu.memory_space<vmem>>
      %dma_start3A_77 = arith.constant 0 : i32
      %dma_start3A_78 = arith.constant 0 : i32
      %dma_start3A_79 = tpu.memref_slice %arg3[%dma_start3A_77, %dma_start3A_78] : memref<2097152x32xf32, #tpu.memory_space<hbm>> -> memref<2097152x32xf32, #tpu.memory_space<hbm>>
      tpu.enqueue_indirect_dma source(%dma_start3A_79 : memref<2097152x32xf32, #tpu.memory_space<hbm>>) target(%dma_start3A_73 : memref<64x32xf32, #tpu.memory_space<vmem>>) offsets(%dma_start3A_76 : memref<64xi32, #tpu.memory_space<vmem>>) semaphore(%arg7 : memref<!tpu.dma_semaphore, #tpu.memory_space<semaphore_mem>>)
      %dma_start3A_80 = arith.constant 0 : i32
      %dma_start3A_81 = arith.constant 1 : i32
      %dma_start3A_82 = arith.constant 0 : i32
      %dma_start3A_83 = arith.constant 1 : i32
      %dma_start3A_84 = arith.constant 0 : i32
      %dma_start3A_85 = arith.constant 0 : i32
      %dma_start3A_86 = tpu.memref_slice %arg6[%dma_start3A_82, %dma_start3A_83, %dma_start3A_84, %dma_start3A_85] : memref<2x4x192x32xf32, #tpu.memory_space<vmem>> -> memref<1x1x128x32xf32, #tpu.memory_space<vmem>>
      %dma_start3A_87 = tpu.memref_squeeze %dma_start3A_86 : memref<1x1x128x32xf32, #tpu.memory_space<vmem>> -> memref<128x32xf32, #tpu.memory_space<vmem>>
      %dma_start3A_88 = arith.constant 0 : i32
      %dma_start3A_89 = tpu.memref_slice %arg5[%dma_start3A_80, %dma_start3A_81, %dma_start3A_88] : memref<2x4x192xi32, #tpu.memory_space<vmem>> -> memref<1x1x128xi32, #tpu.memory_space<vmem>>
      %dma_start3A_90 = tpu.memref_squeeze %dma_start3A_89 : memref<1x1x128xi32, #tpu.memory_space<vmem>> -> memref<128xi32, #tpu.memory_space<vmem>>
      %dma_start3A_91 = arith.constant 0 : i32
      %dma_start3A_92 = arith.constant 0 : i32
      %dma_start3A_93 = tpu.memref_slice %arg3[%dma_start3A_91, %dma_start3A_92] : memref<2097152x32xf32, #tpu.memory_space<hbm>> -> memref<2097152x32xf32, #tpu.memory_space<hbm>>
      tpu.enqueue_indirect_dma source(%dma_start3A_93 : memref<2097152x32xf32, #tpu.memory_space<hbm>>) target(%dma_start3A_87 : memref<128x32xf32, #tpu.memory_space<vmem>>) offsets(%dma_start3A_90 : memref<128xi32, #tpu.memory_space<vmem>>) semaphore(%arg7 : memref<!tpu.dma_semaphore, #tpu.memory_space<semaphore_mem>>)
      %dma_start3A_94 = arith.constant 0 : i32
      %dma_start3A_95 = arith.constant 1 : i32
      %dma_start3A_96 = arith.constant 0 : i32
      %dma_start3A_97 = arith.constant 1 : i32
      %dma_start3A_98 = arith.constant 128 : i32
      %dma_start3A_99 = arith.constant 0 : i32
      %dma_start3A_100 = tpu.memref_slice %arg6[%dma_start3A_96, %dma_start3A_97, %dma_start3A_98, %dma_start3A_99] : memref<2x4x192x32xf32, #tpu.memory_space<vmem>> -> memref<1x1x64x32xf32, #tpu.memory_space<vmem>>
      %dma_start3A_101 = tpu.memref_squeeze %dma_start3A_100 : memref<1x1x64x32xf32, #tpu.memory_space<vmem>> -> memref<64x32xf32, #tpu.memory_space<vmem>>
      %dma_start3A_102 = arith.constant 128 : i32
      %dma_start3A_103 = tpu.memref_slice %arg5[%dma_start3A_94, %dma_start3A_95, %dma_start3A_102] : memref<2x4x192xi32, #tpu.memory_space<vmem>> -> memref<1x1x64xi32, #tpu.memory_space<vmem>>
      %dma_start3A_104 = tpu.memref_squeeze %dma_start3A_103 : memref<1x1x64xi32, #tpu.memory_space<vmem>> -> memref<64xi32, #tpu.memory_space<vmem>>
      %dma_start3A_105 = arith.constant 0 : i32
      %dma_start3A_106 = arith.constant 0 : i32
      %dma_start3A_107 = tpu.memref_slice %arg3[%dma_start3A_105, %dma_start3A_106] : memref<2097152x32xf32, #tpu.memory_space<hbm>> -> memref<2097152x32xf32, #tpu.memory_space<hbm>>
      tpu.enqueue_indirect_dma source(%dma_start3A_107 : memref<2097152x32xf32, #tpu.memory_space<hbm>>) target(%dma_start3A_101 : memref<64x32xf32, #tpu.memory_space<vmem>>) offsets(%dma_start3A_104 : memref<64xi32, #tpu.memory_space<vmem>>) semaphore(%arg7 : memref<!tpu.dma_semaphore, #tpu.memory_space<semaphore_mem>>)
      %dma_start3A_108 = arith.constant 0 : i32
      %dma_start3A_109 = arith.constant 2 : i32
      %dma_start3A_110 = arith.constant 0 : i32
      %dma_start3A_111 = arith.constant 2 : i32
      %dma_start3A_112 = arith.constant 0 : i32
      %dma_start3A_113 = arith.constant 0 : i32
      %dma_start3A_114 = tpu.memref_slice %arg6[%dma_start3A_110, %dma_start3A_111, %dma_start3A_112, %dma_start3A_113] : memref<2x4x192x32xf32, #tpu.memory_space<vmem>> -> memref<1x1x128x32xf32, #tpu.memory_space<vmem>>
      %dma_start3A_115 = tpu.memref_squeeze %dma_start3A_114 : memref<1x1x128x32xf32, #tpu.memory_space<vmem>> -> memref<128x32xf32, #tpu.memory_space<vmem>>
      %dma_start3A_116 = arith.constant 0 : i32
      %dma_start3A_117 = tpu.memref_slice %arg5[%dma_start3A_108, %dma_start3A_109, %dma_start3A_116] : memref<2x4x192xi32, #tpu.memory_space<vmem>> -> memref<1x1x128xi32, #tpu.memory_space<vmem>>
      %dma_start3A_118 = tpu.memref_squeeze %dma_start3A_117 : memref<1x1x128xi32, #tpu.memory_space<vmem>> -> memref<128xi32, #tpu.memory_space<vmem>>
      %dma_start3A_119 = arith.constant 0 : i32
      %dma_start3A_120 = arith.constant 0 : i32
      %dma_start3A_121 = tpu.memref_slice %arg3[%dma_start3A_119, %dma_start3A_120] : memref<2097152x32xf32, #tpu.memory_space<hbm>> -> memref<2097152x32xf32, #tpu.memory_space<hbm>>
      tpu.enqueue_indirect_dma source(%dma_start3A_121 : memref<2097152x32xf32, #tpu.memory_space<hbm>>) target(%dma_start3A_115 : memref<128x32xf32, #tpu.memory_space<vmem>>) offsets(%dma_start3A_118 : memref<128xi32, #tpu.memory_space<vmem>>) semaphore(%arg7 : memref<!tpu.dma_semaphore, #tpu.memory_space<semaphore_mem>>)
      %dma_start3A_122 = arith.constant 0 : i32
      %dma_start3A_123 = arith.constant 2 : i32
      %dma_start3A_124 = arith.constant 0 : i32
      %dma_start3A_125 = arith.constant 2 : i32
      %dma_start3A_126 = arith.constant 128 : i32
      %dma_start3A_127 = arith.constant 0 : i32
      %dma_start3A_128 = tpu.memref_slice %arg6[%dma_start3A_124, %dma_start3A_125, %dma_start3A_126, %dma_start3A_127] : memref<2x4x192x32xf32, #tpu.memory_space<vmem>> -> memref<1x1x64x32xf32, #tpu.memory_space<vmem>>
      %dma_start3A_129 = tpu.memref_squeeze %dma_start3A_128 : memref<1x1x64x32xf32, #tpu.memory_space<vmem>> -> memref<64x32xf32, #tpu.memory_space<vmem>>
      %dma_start3A_130 = arith.constant 128 : i32
      %dma_start3A_131 = tpu.memref_slice %arg5[%dma_start3A_122, %dma_start3A_123, %dma_start3A_130] : memref<2x4x192xi32, #tpu.memory_space<vmem>> -> memref<1x1x64xi32, #tpu.memory_space<vmem>>
      %dma_start3A_132 = tpu.memref_squeeze %dma_start3A_131 : memref<1x1x64xi32, #tpu.memory_space<vmem>> -> memref<64xi32, #tpu.memory_space<vmem>>
      %dma_start3A_133 = arith.constant 0 : i32
      %dma_start3A_134 = arith.constant 0 : i32
      %dma_start3A_135 = tpu.memref_slice %arg3[%dma_start3A_133, %dma_start3A_134] : memref<2097152x32xf32, #tpu.memory_space<hbm>> -> memref<2097152x32xf32, #tpu.memory_space<hbm>>
      tpu.enqueue_indirect_dma source(%dma_start3A_135 : memref<2097152x32xf32, #tpu.memory_space<hbm>>) target(%dma_start3A_129 : memref<64x32xf32, #tpu.memory_space<vmem>>) offsets(%dma_start3A_132 : memref<64xi32, #tpu.memory_space<vmem>>) semaphore(%arg7 : memref<!tpu.dma_semaphore, #tpu.memory_space<semaphore_mem>>)
      %dma_start3A_136 = arith.constant 0 : i32
      %dma_start3A_137 = arith.constant 3 : i32
      %dma_start3A_138 = arith.constant 0 : i32
      %dma_start3A_139 = arith.constant 3 : i32
      %dma_start3A_140 = arith.constant 0 : i32
      %dma_start3A_141 = arith.constant 0 : i32
      %dma_start3A_142 = tpu.memref_slice %arg6[%dma_start3A_138, %dma_start3A_139, %dma_start3A_140, %dma_start3A_141] : memref<2x4x192x32xf32, #tpu.memory_space<vmem>> -> memref<1x1x128x32xf32, #tpu.memory_space<vmem>>
      %dma_start3A_143 = tpu.memref_squeeze %dma_start3A_142 : memref<1x1x128x32xf32, #tpu.memory_space<vmem>> -> memref<128x32xf32, #tpu.memory_space<vmem>>
      %dma_start3A_144 = arith.constant 0 : i32
      %dma_start3A_145 = tpu.memref_slice %arg5[%dma_start3A_136, %dma_start3A_137, %dma_start3A_144] : memref<2x4x192xi32, #tpu.memory_space<vmem>> -> memref<1x1x128xi32, #tpu.memory_space<vmem>>
      %dma_start3A_146 = tpu.memref_squeeze %dma_start3A_145 : memref<1x1x128xi32, #tpu.memory_space<vmem>> -> memref<128xi32, #tpu.memory_space<vmem>>
      %dma_start3A_147 = arith.constant 0 : i32
      %dma_start3A_148 = arith.constant 0 : i32
      %dma_start3A_149 = tpu.memref_slice %arg3[%dma_start3A_147, %dma_start3A_148] : memref<2097152x32xf32, #tpu.memory_space<hbm>> -> memref<2097152x32xf32, #tpu.memory_space<hbm>>
      tpu.enqueue_indirect_dma source(%dma_start3A_149 : memref<2097152x32xf32, #tpu.memory_space<hbm>>) target(%dma_start3A_143 : memref<128x32xf32, #tpu.memory_space<vmem>>) offsets(%dma_start3A_146 : memref<128xi32, #tpu.memory_space<vmem>>) semaphore(%arg7 : memref<!tpu.dma_semaphore, #tpu.memory_space<semaphore_mem>>)
      %dma_start3A_150 = arith.constant 0 : i32
      %dma_start3A_151 = arith.constant 3 : i32
      %dma_start3A_152 = arith.constant 0 : i32
      %dma_start3A_153 = arith.constant 3 : i32
      %dma_start3A_154 = arith.constant 128 : i32
      %dma_start3A_155 = arith.constant 0 : i32
      %dma_start3A_156 = tpu.memref_slice %arg6[%dma_start3A_152, %dma_start3A_153, %dma_start3A_154, %dma_start3A_155] : memref<2x4x192x32xf32, #tpu.memory_space<vmem>> -> memref<1x1x64x32xf32, #tpu.memory_space<vmem>>
      %dma_start3A_157 = tpu.memref_squeeze %dma_start3A_156 : memref<1x1x64x32xf32, #tpu.memory_space<vmem>> -> memref<64x32xf32, #tpu.memory_space<vmem>>
      %dma_start3A_158 = arith.constant 128 : i32
      %dma_start3A_159 = tpu.memref_slice %arg5[%dma_start3A_150, %dma_start3A_151, %dma_start3A_158] : memref<2x4x192xi32, #tpu.memory_space<vmem>> -> memref<1x1x64xi32, #tpu.memory_space<vmem>>
      %dma_start3A_160 = tpu.memref_squeeze %dma_start3A_159 : memref<1x1x64xi32, #tpu.memory_space<vmem>> -> memref<64xi32, #tpu.memory_space<vmem>>
      %dma_start3A_161 = arith.constant 0 : i32
      %dma_start3A_162 = arith.constant 0 : i32
      %dma_start3A_163 = tpu.memref_slice %arg3[%dma_start3A_161, %dma_start3A_162] : memref<2097152x32xf32, #tpu.memory_space<hbm>> -> memref<2097152x32xf32, #tpu.memory_space<hbm>>
      tpu.enqueue_indirect_dma source(%dma_start3A_163 : memref<2097152x32xf32, #tpu.memory_space<hbm>>) target(%dma_start3A_157 : memref<64x32xf32, #tpu.memory_space<vmem>>) offsets(%dma_start3A_160 : memref<64xi32, #tpu.memory_space<vmem>>) semaphore(%arg7 : memref<!tpu.dma_semaphore, #tpu.memory_space<semaphore_mem>>)
      %mul3A_164 = arith.constant 4 : i32
      %mul3A_165 = arith.muli %add3A_47, %mul3A_164 : i32
      %add3A_166 = arith.addi %mul3A_2, %mul3A_165 : i32
      %run_scoped3A_167 = arith.constant 1 : i32
      "tpu.region"() ({
        %run_scoped3A_544 = tpu.sem_alloc : memref<!tpu.dma_semaphore, #tpu.memory_space<semaphore_mem>>
        %dma_start3A_545 = arith.constant 0 : i32
        %dma_start3A_546 = arith.constant 0 : i32
        %dma_start3A_547 = tpu.memref_slice %arg5[%run_scoped3A_167, %dma_start3A_545, %dma_start3A_546] : memref<2x4x192xi32, #tpu.memory_space<vmem>> -> memref<1x4x192xi32, #tpu.memory_space<vmem>>
        %dma_start3A_548 = tpu.memref_squeeze %dma_start3A_547 : memref<1x4x192xi32, #tpu.memory_space<vmem>> -> memref<4x192xi32, #tpu.memory_space<vmem>>
        %dma_start3A_549 = arith.constant 0 : i32
        %dma_start3A_550 = tpu.memref_slice %arg2[%add3A_166, %dma_start3A_549] : memref<16384x192xi32, #tpu.memory_space<hbm>> -> memref<4x192xi32, #tpu.memory_space<hbm>>
        %dma_start3A_551 = arith.constant 0 : i32
        %dma_start3A_552 = arith.constant 0 : i32
        %dma_start3A_553 = tpu.memref_slice %arg5[%run_scoped3A_167, %dma_start3A_551, %dma_start3A_552] : memref<2x4x192xi32, #tpu.memory_space<vmem>> -> memref<1x4x192xi32, #tpu.memory_space<vmem>>
        %dma_start3A_554 = tpu.memref_squeeze %dma_start3A_553 : memref<1x4x192xi32, #tpu.memory_space<vmem>> -> memref<4x192xi32, #tpu.memory_space<vmem>>
        %dma_start3A_555 = arith.constant 0 : i32
        %dma_start3A_556 = tpu.memref_slice %arg2[%add3A_166, %dma_start3A_555] : memref<16384x192xi32, #tpu.memory_space<hbm>> -> memref<4x192xi32, #tpu.memory_space<hbm>>
        tpu.enqueue_dma source(%dma_start3A_556 : memref<4x192xi32, #tpu.memory_space<hbm>>) target(%dma_start3A_554 : memref<4x192xi32, #tpu.memory_space<vmem>>) target_semaphore(%run_scoped3A_544 : memref<!tpu.dma_semaphore, #tpu.memory_space<semaphore_mem>>)
        %dma_wait3A_557 = arith.constant 0 : i32
        %dma_wait3A_558 = arith.constant 0 : i32
        %dma_wait3A_559 = tpu.memref_slice %arg5[%run_scoped3A_167, %dma_wait3A_557, %dma_wait3A_558] : memref<2x4x192xi32, #tpu.memory_space<vmem>> -> memref<1x4x192xi32, #tpu.memory_space<vmem>>
        %dma_wait3A_560 = tpu.memref_squeeze %dma_wait3A_559 : memref<1x4x192xi32, #tpu.memory_space<vmem>> -> memref<4x192xi32, #tpu.memory_space<vmem>>
        %dma_wait3A_561 = arith.constant 0 : i32
        %dma_wait3A_562 = tpu.memref_slice %arg2[%add3A_166, %dma_wait3A_561] : memref<16384x192xi32, #tpu.memory_space<hbm>> -> memref<4x192xi32, #tpu.memory_space<hbm>>
        %dma_wait3A_563 = arith.constant 0 : i32
        %dma_wait3A_564 = arith.constant 0 : i32
        %dma_wait3A_565 = tpu.memref_slice %arg5[%run_scoped3A_167, %dma_wait3A_563, %dma_wait3A_564] : memref<2x4x192xi32, #tpu.memory_space<vmem>> -> memref<1x4x192xi32, #tpu.memory_space<vmem>>
        %dma_wait3A_566 = tpu.memref_squeeze %dma_wait3A_565 : memref<1x4x192xi32, #tpu.memory_space<vmem>> -> memref<4x192xi32, #tpu.memory_space<vmem>>
        %dma_wait3A_567 = arith.constant 0 : i32
        %dma_wait3A_568 = tpu.memref_slice %arg2[%add3A_166, %dma_wait3A_567] : memref<16384x192xi32, #tpu.memory_space<hbm>> -> memref<4x192xi32, #tpu.memory_space<hbm>>
        tpu.wait_dma2 semaphore(%run_scoped3A_544 : memref<!tpu.dma_semaphore, #tpu.memory_space<semaphore_mem>>) src(%dma_wait3A_568 : memref<4x192xi32, #tpu.memory_space<hbm>>) dst(%dma_wait3A_566 : memref<4x192xi32, #tpu.memory_space<vmem>>)
        tpu.yield
      }) : () -> ()
      %dma_start3A_168 = arith.constant 1 : i32
      %dma_start3A_169 = arith.constant 0 : i32
      %dma_start3A_170 = arith.constant 1 : i32
      %dma_start3A_171 = arith.constant 0 : i32
      %dma_start3A_172 = arith.constant 0 : i32
      %dma_start3A_173 = arith.constant 0 : i32
      %dma_start3A_174 = tpu.memref_slice %arg6[%dma_start3A_170, %dma_start3A_171, %dma_start3A_172, %dma_start3A_173] : memref<2x4x192x32xf32, #tpu.memory_space<vmem>> -> memref<1x1x128x32xf32, #tpu.memory_space<vmem>>
      %dma_start3A_175 = tpu.memref_squeeze %dma_start3A_174 : memref<1x1x128x32xf32, #tpu.memory_space<vmem>> -> memref<128x32xf32, #tpu.memory_space<vmem>>
      %dma_start3A_176 = arith.constant 0 : i32
      %dma_start3A_177 = tpu.memref_slice %arg5[%dma_start3A_168, %dma_start3A_169, %dma_start3A_176] : memref<2x4x192xi32, #tpu.memory_space<vmem>> -> memref<1x1x128xi32, #tpu.memory_space<vmem>>
      %dma_start3A_178 = tpu.memref_squeeze %dma_start3A_177 : memref<1x1x128xi32, #tpu.memory_space<vmem>> -> memref<128xi32, #tpu.memory_space<vmem>>
      %dma_start3A_179 = arith.constant 0 : i32
      %dma_start3A_180 = arith.constant 0 : i32
      %dma_start3A_181 = tpu.memref_slice %arg3[%dma_start3A_179, %dma_start3A_180] : memref<2097152x32xf32, #tpu.memory_space<hbm>> -> memref<2097152x32xf32, #tpu.memory_space<hbm>>
      tpu.enqueue_indirect_dma source(%dma_start3A_181 : memref<2097152x32xf32, #tpu.memory_space<hbm>>) target(%dma_start3A_175 : memref<128x32xf32, #tpu.memory_space<vmem>>) offsets(%dma_start3A_178 : memref<128xi32, #tpu.memory_space<vmem>>) semaphore(%arg7 : memref<!tpu.dma_semaphore, #tpu.memory_space<semaphore_mem>>)
      %dma_start3A_182 = arith.constant 1 : i32
      %dma_start3A_183 = arith.constant 0 : i32
      %dma_start3A_184 = arith.constant 1 : i32
      %dma_start3A_185 = arith.constant 0 : i32
      %dma_start3A_186 = arith.constant 128 : i32
      %dma_start3A_187 = arith.constant 0 : i32
      %dma_start3A_188 = tpu.memref_slice %arg6[%dma_start3A_184, %dma_start3A_185, %dma_start3A_186, %dma_start3A_187] : memref<2x4x192x32xf32, #tpu.memory_space<vmem>> -> memref<1x1x64x32xf32, #tpu.memory_space<vmem>>
      %dma_start3A_189 = tpu.memref_squeeze %dma_start3A_188 : memref<1x1x64x32xf32, #tpu.memory_space<vmem>> -> memref<64x32xf32, #tpu.memory_space<vmem>>
      %dma_start3A_190 = arith.constant 128 : i32
      %dma_start3A_191 = tpu.memref_slice %arg5[%dma_start3A_182, %dma_start3A_183, %dma_start3A_190] : memref<2x4x192xi32, #tpu.memory_space<vmem>> -> memref<1x1x64xi32, #tpu.memory_space<vmem>>
      %dma_start3A_192 = tpu.memref_squeeze %dma_start3A_191 : memref<1x1x64xi32, #tpu.memory_space<vmem>> -> memref<64xi32, #tpu.memory_space<vmem>>
      %dma_start3A_193 = arith.constant 0 : i32
      %dma_start3A_194 = arith.constant 0 : i32
      %dma_start3A_195 = tpu.memref_slice %arg3[%dma_start3A_193, %dma_start3A_194] : memref<2097152x32xf32, #tpu.memory_space<hbm>> -> memref<2097152x32xf32, #tpu.memory_space<hbm>>
      tpu.enqueue_indirect_dma source(%dma_start3A_195 : memref<2097152x32xf32, #tpu.memory_space<hbm>>) target(%dma_start3A_189 : memref<64x32xf32, #tpu.memory_space<vmem>>) offsets(%dma_start3A_192 : memref<64xi32, #tpu.memory_space<vmem>>) semaphore(%arg7 : memref<!tpu.dma_semaphore, #tpu.memory_space<semaphore_mem>>)
      %dma_start3A_196 = arith.constant 1 : i32
      %dma_start3A_197 = arith.constant 1 : i32
      %dma_start3A_198 = arith.constant 1 : i32
      %dma_start3A_199 = arith.constant 1 : i32
      %dma_start3A_200 = arith.constant 0 : i32
      %dma_start3A_201 = arith.constant 0 : i32
      %dma_start3A_202 = tpu.memref_slice %arg6[%dma_start3A_198, %dma_start3A_199, %dma_start3A_200, %dma_start3A_201] : memref<2x4x192x32xf32, #tpu.memory_space<vmem>> -> memref<1x1x128x32xf32, #tpu.memory_space<vmem>>
      %dma_start3A_203 = tpu.memref_squeeze %dma_start3A_202 : memref<1x1x128x32xf32, #tpu.memory_space<vmem>> -> memref<128x32xf32, #tpu.memory_space<vmem>>
      %dma_start3A_204 = arith.constant 0 : i32
      %dma_start3A_205 = tpu.memref_slice %arg5[%dma_start3A_196, %dma_start3A_197, %dma_start3A_204] : memref<2x4x192xi32, #tpu.memory_space<vmem>> -> memref<1x1x128xi32, #tpu.memory_space<vmem>>
      %dma_start3A_206 = tpu.memref_squeeze %dma_start3A_205 : memref<1x1x128xi32, #tpu.memory_space<vmem>> -> memref<128xi32, #tpu.memory_space<vmem>>
      %dma_start3A_207 = arith.constant 0 : i32
      %dma_start3A_208 = arith.constant 0 : i32
      %dma_start3A_209 = tpu.memref_slice %arg3[%dma_start3A_207, %dma_start3A_208] : memref<2097152x32xf32, #tpu.memory_space<hbm>> -> memref<2097152x32xf32, #tpu.memory_space<hbm>>
      tpu.enqueue_indirect_dma source(%dma_start3A_209 : memref<2097152x32xf32, #tpu.memory_space<hbm>>) target(%dma_start3A_203 : memref<128x32xf32, #tpu.memory_space<vmem>>) offsets(%dma_start3A_206 : memref<128xi32, #tpu.memory_space<vmem>>) semaphore(%arg7 : memref<!tpu.dma_semaphore, #tpu.memory_space<semaphore_mem>>)
      %dma_start3A_210 = arith.constant 1 : i32
      %dma_start3A_211 = arith.constant 1 : i32
      %dma_start3A_212 = arith.constant 1 : i32
      %dma_start3A_213 = arith.constant 1 : i32
      %dma_start3A_214 = arith.constant 128 : i32
      %dma_start3A_215 = arith.constant 0 : i32
      %dma_start3A_216 = tpu.memref_slice %arg6[%dma_start3A_212, %dma_start3A_213, %dma_start3A_214, %dma_start3A_215] : memref<2x4x192x32xf32, #tpu.memory_space<vmem>> -> memref<1x1x64x32xf32, #tpu.memory_space<vmem>>
      %dma_start3A_217 = tpu.memref_squeeze %dma_start3A_216 : memref<1x1x64x32xf32, #tpu.memory_space<vmem>> -> memref<64x32xf32, #tpu.memory_space<vmem>>
      %dma_start3A_218 = arith.constant 128 : i32
      %dma_start3A_219 = tpu.memref_slice %arg5[%dma_start3A_210, %dma_start3A_211, %dma_start3A_218] : memref<2x4x192xi32, #tpu.memory_space<vmem>> -> memref<1x1x64xi32, #tpu.memory_space<vmem>>
      %dma_start3A_220 = tpu.memref_squeeze %dma_start3A_219 : memref<1x1x64xi32, #tpu.memory_space<vmem>> -> memref<64xi32, #tpu.memory_space<vmem>>
      %dma_start3A_221 = arith.constant 0 : i32
      %dma_start3A_222 = arith.constant 0 : i32
      %dma_start3A_223 = tpu.memref_slice %arg3[%dma_start3A_221, %dma_start3A_222] : memref<2097152x32xf32, #tpu.memory_space<hbm>> -> memref<2097152x32xf32, #tpu.memory_space<hbm>>
      tpu.enqueue_indirect_dma source(%dma_start3A_223 : memref<2097152x32xf32, #tpu.memory_space<hbm>>) target(%dma_start3A_217 : memref<64x32xf32, #tpu.memory_space<vmem>>) offsets(%dma_start3A_220 : memref<64xi32, #tpu.memory_space<vmem>>) semaphore(%arg7 : memref<!tpu.dma_semaphore, #tpu.memory_space<semaphore_mem>>)
      %dma_start3A_224 = arith.constant 1 : i32
      %dma_start3A_225 = arith.constant 2 : i32
      %dma_start3A_226 = arith.constant 1 : i32
      %dma_start3A_227 = arith.constant 2 : i32
      %dma_start3A_228 = arith.constant 0 : i32
      %dma_start3A_229 = arith.constant 0 : i32
      %dma_start3A_230 = tpu.memref_slice %arg6[%dma_start3A_226, %dma_start3A_227, %dma_start3A_228, %dma_start3A_229] : memref<2x4x192x32xf32, #tpu.memory_space<vmem>> -> memref<1x1x128x32xf32, #tpu.memory_space<vmem>>
      %dma_start3A_231 = tpu.memref_squeeze %dma_start3A_230 : memref<1x1x128x32xf32, #tpu.memory_space<vmem>> -> memref<128x32xf32, #tpu.memory_space<vmem>>
      %dma_start3A_232 = arith.constant 0 : i32
      %dma_start3A_233 = tpu.memref_slice %arg5[%dma_start3A_224, %dma_start3A_225, %dma_start3A_232] : memref<2x4x192xi32, #tpu.memory_space<vmem>> -> memref<1x1x128xi32, #tpu.memory_space<vmem>>
      %dma_start3A_234 = tpu.memref_squeeze %dma_start3A_233 : memref<1x1x128xi32, #tpu.memory_space<vmem>> -> memref<128xi32, #tpu.memory_space<vmem>>
      %dma_start3A_235 = arith.constant 0 : i32
      %dma_start3A_236 = arith.constant 0 : i32
      %dma_start3A_237 = tpu.memref_slice %arg3[%dma_start3A_235, %dma_start3A_236] : memref<2097152x32xf32, #tpu.memory_space<hbm>> -> memref<2097152x32xf32, #tpu.memory_space<hbm>>
      tpu.enqueue_indirect_dma source(%dma_start3A_237 : memref<2097152x32xf32, #tpu.memory_space<hbm>>) target(%dma_start3A_231 : memref<128x32xf32, #tpu.memory_space<vmem>>) offsets(%dma_start3A_234 : memref<128xi32, #tpu.memory_space<vmem>>) semaphore(%arg7 : memref<!tpu.dma_semaphore, #tpu.memory_space<semaphore_mem>>)
      %dma_start3A_238 = arith.constant 1 : i32
      %dma_start3A_239 = arith.constant 2 : i32
      %dma_start3A_240 = arith.constant 1 : i32
      %dma_start3A_241 = arith.constant 2 : i32
      %dma_start3A_242 = arith.constant 128 : i32
      %dma_start3A_243 = arith.constant 0 : i32
      %dma_start3A_244 = tpu.memref_slice %arg6[%dma_start3A_240, %dma_start3A_241, %dma_start3A_242, %dma_start3A_243] : memref<2x4x192x32xf32, #tpu.memory_space<vmem>> -> memref<1x1x64x32xf32, #tpu.memory_space<vmem>>
      %dma_start3A_245 = tpu.memref_squeeze %dma_start3A_244 : memref<1x1x64x32xf32, #tpu.memory_space<vmem>> -> memref<64x32xf32, #tpu.memory_space<vmem>>
      %dma_start3A_246 = arith.constant 128 : i32
      %dma_start3A_247 = tpu.memref_slice %arg5[%dma_start3A_238, %dma_start3A_239, %dma_start3A_246] : memref<2x4x192xi32, #tpu.memory_space<vmem>> -> memref<1x1x64xi32, #tpu.memory_space<vmem>>
      %dma_start3A_248 = tpu.memref_squeeze %dma_start3A_247 : memref<1x1x64xi32, #tpu.memory_space<vmem>> -> memref<64xi32, #tpu.memory_space<vmem>>
      %dma_start3A_249 = arith.constant 0 : i32
      %dma_start3A_250 = arith.constant 0 : i32
      %dma_start3A_251 = tpu.memref_slice %arg3[%dma_start3A_249, %dma_start3A_250] : memref<2097152x32xf32, #tpu.memory_space<hbm>> -> memref<2097152x32xf32, #tpu.memory_space<hbm>>
      tpu.enqueue_indirect_dma source(%dma_start3A_251 : memref<2097152x32xf32, #tpu.memory_space<hbm>>) target(%dma_start3A_245 : memref<64x32xf32, #tpu.memory_space<vmem>>) offsets(%dma_start3A_248 : memref<64xi32, #tpu.memory_space<vmem>>) semaphore(%arg7 : memref<!tpu.dma_semaphore, #tpu.memory_space<semaphore_mem>>)
      %dma_start3A_252 = arith.constant 1 : i32
      %dma_start3A_253 = arith.constant 3 : i32
      %dma_start3A_254 = arith.constant 1 : i32
      %dma_start3A_255 = arith.constant 3 : i32
      %dma_start3A_256 = arith.constant 0 : i32
      %dma_start3A_257 = arith.constant 0 : i32
      %dma_start3A_258 = tpu.memref_slice %arg6[%dma_start3A_254, %dma_start3A_255, %dma_start3A_256, %dma_start3A_257] : memref<2x4x192x32xf32, #tpu.memory_space<vmem>> -> memref<1x1x128x32xf32, #tpu.memory_space<vmem>>
      %dma_start3A_259 = tpu.memref_squeeze %dma_start3A_258 : memref<1x1x128x32xf32, #tpu.memory_space<vmem>> -> memref<128x32xf32, #tpu.memory_space<vmem>>
      %dma_start3A_260 = arith.constant 0 : i32
      %dma_start3A_261 = tpu.memref_slice %arg5[%dma_start3A_252, %dma_start3A_253, %dma_start3A_260] : memref<2x4x192xi32, #tpu.memory_space<vmem>> -> memref<1x1x128xi32, #tpu.memory_space<vmem>>
      %dma_start3A_262 = tpu.memref_squeeze %dma_start3A_261 : memref<1x1x128xi32, #tpu.memory_space<vmem>> -> memref<128xi32, #tpu.memory_space<vmem>>
      %dma_start3A_263 = arith.constant 0 : i32
      %dma_start3A_264 = arith.constant 0 : i32
      %dma_start3A_265 = tpu.memref_slice %arg3[%dma_start3A_263, %dma_start3A_264] : memref<2097152x32xf32, #tpu.memory_space<hbm>> -> memref<2097152x32xf32, #tpu.memory_space<hbm>>
      tpu.enqueue_indirect_dma source(%dma_start3A_265 : memref<2097152x32xf32, #tpu.memory_space<hbm>>) target(%dma_start3A_259 : memref<128x32xf32, #tpu.memory_space<vmem>>) offsets(%dma_start3A_262 : memref<128xi32, #tpu.memory_space<vmem>>) semaphore(%arg7 : memref<!tpu.dma_semaphore, #tpu.memory_space<semaphore_mem>>)
      %dma_start3A_266 = arith.constant 1 : i32
      %dma_start3A_267 = arith.constant 3 : i32
      %dma_start3A_268 = arith.constant 1 : i32
      %dma_start3A_269 = arith.constant 3 : i32
      %dma_start3A_270 = arith.constant 128 : i32
      %dma_start3A_271 = arith.constant 0 : i32
      %dma_start3A_272 = tpu.memref_slice %arg6[%dma_start3A_268, %dma_start3A_269, %dma_start3A_270, %dma_start3A_271] : memref<2x4x192x32xf32, #tpu.memory_space<vmem>> -> memref<1x1x64x32xf32, #tpu.memory_space<vmem>>
      %dma_start3A_273 = tpu.memref_squeeze %dma_start3A_272 : memref<1x1x64x32xf32, #tpu.memory_space<vmem>> -> memref<64x32xf32, #tpu.memory_space<vmem>>
      %dma_start3A_274 = arith.constant 128 : i32
      %dma_start3A_275 = tpu.memref_slice %arg5[%dma_start3A_266, %dma_start3A_267, %dma_start3A_274] : memref<2x4x192xi32, #tpu.memory_space<vmem>> -> memref<1x1x64xi32, #tpu.memory_space<vmem>>
      %dma_start3A_276 = tpu.memref_squeeze %dma_start3A_275 : memref<1x1x64xi32, #tpu.memory_space<vmem>> -> memref<64xi32, #tpu.memory_space<vmem>>
      %dma_start3A_277 = arith.constant 0 : i32
      %dma_start3A_278 = arith.constant 0 : i32
      %dma_start3A_279 = tpu.memref_slice %arg3[%dma_start3A_277, %dma_start3A_278] : memref<2097152x32xf32, #tpu.memory_space<hbm>> -> memref<2097152x32xf32, #tpu.memory_space<hbm>>
      tpu.enqueue_indirect_dma source(%dma_start3A_279 : memref<2097152x32xf32, #tpu.memory_space<hbm>>) target(%dma_start3A_273 : memref<64x32xf32, #tpu.memory_space<vmem>>) offsets(%dma_start3A_276 : memref<64xi32, #tpu.memory_space<vmem>>) semaphore(%arg7 : memref<!tpu.dma_semaphore, #tpu.memory_space<semaphore_mem>>)
      %dma_wait3A_280 = arith.constant 0 : i32
      %dma_wait3A_281 = arith.constant 0 : i32
      %dma_wait3A_282 = arith.constant 0 : i32
      %dma_wait3A_283 = arith.constant 0 : i32
      %dma_wait3A_284 = arith.constant 0 : i32
      %dma_wait3A_285 = arith.constant 0 : i32
      %dma_wait3A_286 = tpu.memref_slice %arg6[%dma_wait3A_282, %dma_wait3A_283, %dma_wait3A_284, %dma_wait3A_285] : memref<2x4x192x32xf32, #tpu.memory_space<vmem>> -> memref<1x1x128x32xf32, #tpu.memory_space<vmem>>
      %dma_wait3A_287 = tpu.memref_squeeze %dma_wait3A_286 : memref<1x1x128x32xf32, #tpu.memory_space<vmem>> -> memref<128x32xf32, #tpu.memory_space<vmem>>
      %dma_wait3A_288 = arith.constant 0 : i32
      %dma_wait3A_289 = tpu.memref_slice %arg5[%dma_wait3A_280, %dma_wait3A_281, %dma_wait3A_288] : memref<2x4x192xi32, #tpu.memory_space<vmem>> -> memref<1x1x128xi32, #tpu.memory_space<vmem>>
      %dma_wait3A_290 = tpu.memref_squeeze %dma_wait3A_289 : memref<1x1x128xi32, #tpu.memory_space<vmem>> -> memref<128xi32, #tpu.memory_space<vmem>>
      %dma_wait3A_291 = arith.constant 0 : i32
      %dma_wait3A_292 = arith.constant 0 : i32
      %dma_wait3A_293 = tpu.memref_slice %arg3[%dma_wait3A_291, %dma_wait3A_292] : memref<2097152x32xf32, #tpu.memory_space<hbm>> -> memref<2097152x32xf32, #tpu.memory_space<hbm>>
      tpu.wait_indirect_dma semaphore(%arg7 : memref<!tpu.dma_semaphore, #tpu.memory_space<semaphore_mem>>) src(%dma_wait3A_293 : memref<2097152x32xf32, #tpu.memory_space<hbm>>) dst(%dma_wait3A_287 : memref<128x32xf32, #tpu.memory_space<vmem>>)
      %dma_wait3A_294 = arith.constant 0 : i32
      %dma_wait3A_295 = arith.constant 0 : i32
      %dma_wait3A_296 = arith.constant 0 : i32
      %dma_wait3A_297 = arith.constant 0 : i32
      %dma_wait3A_298 = arith.constant 128 : i32
      %dma_wait3A_299 = arith.constant 0 : i32
      %dma_wait3A_300 = tpu.memref_slice %arg6[%dma_wait3A_296, %dma_wait3A_297, %dma_wait3A_298, %dma_wait3A_299] : memref<2x4x192x32xf32, #tpu.memory_space<vmem>> -> memref<1x1x64x32xf32, #tpu.memory_space<vmem>>
      %dma_wait3A_301 = tpu.memref_squeeze %dma_wait3A_300 : memref<1x1x64x32xf32, #tpu.memory_space<vmem>> -> memref<64x32xf32, #tpu.memory_space<vmem>>
      %dma_wait3A_302 = arith.constant 128 : i32
      %dma_wait3A_303 = tpu.memref_slice %arg5[%dma_wait3A_294, %dma_wait3A_295, %dma_wait3A_302] : memref<2x4x192xi32, #tpu.memory_space<vmem>> -> memref<1x1x64xi32, #tpu.memory_space<vmem>>
      %dma_wait3A_304 = tpu.memref_squeeze %dma_wait3A_303 : memref<1x1x64xi32, #tpu.memory_space<vmem>> -> memref<64xi32, #tpu.memory_space<vmem>>
      %dma_wait3A_305 = arith.constant 0 : i32
      %dma_wait3A_306 = arith.constant 0 : i32
      %dma_wait3A_307 = tpu.memref_slice %arg3[%dma_wait3A_305, %dma_wait3A_306] : memref<2097152x32xf32, #tpu.memory_space<hbm>> -> memref<2097152x32xf32, #tpu.memory_space<hbm>>
      tpu.wait_indirect_dma semaphore(%arg7 : memref<!tpu.dma_semaphore, #tpu.memory_space<semaphore_mem>>) src(%dma_wait3A_307 : memref<2097152x32xf32, #tpu.memory_space<hbm>>) dst(%dma_wait3A_301 : memref<64x32xf32, #tpu.memory_space<vmem>>)
      %dma_wait3A_308 = arith.constant 0 : i32
      %dma_wait3A_309 = arith.constant 1 : i32
      %dma_wait3A_310 = arith.constant 0 : i32
      %dma_wait3A_311 = arith.constant 1 : i32
      %dma_wait3A_312 = arith.constant 0 : i32
      %dma_wait3A_313 = arith.constant 0 : i32
      %dma_wait3A_314 = tpu.memref_slice %arg6[%dma_wait3A_310, %dma_wait3A_311, %dma_wait3A_312, %dma_wait3A_313] : memref<2x4x192x32xf32, #tpu.memory_space<vmem>> -> memref<1x1x128x32xf32, #tpu.memory_space<vmem>>
      %dma_wait3A_315 = tpu.memref_squeeze %dma_wait3A_314 : memref<1x1x128x32xf32, #tpu.memory_space<vmem>> -> memref<128x32xf32, #tpu.memory_space<vmem>>
      %dma_wait3A_316 = arith.constant 0 : i32
      %dma_wait3A_317 = tpu.memref_slice %arg5[%dma_wait3A_308, %dma_wait3A_309, %dma_wait3A_316] : memref<2x4x192xi32, #tpu.memory_space<vmem>> -> memref<1x1x128xi32, #tpu.memory_space<vmem>>
      %dma_wait3A_318 = tpu.memref_squeeze %dma_wait3A_317 : memref<1x1x128xi32, #tpu.memory_space<vmem>> -> memref<128xi32, #tpu.memory_space<vmem>>
      %dma_wait3A_319 = arith.constant 0 : i32
      %dma_wait3A_320 = arith.constant 0 : i32
      %dma_wait3A_321 = tpu.memref_slice %arg3[%dma_wait3A_319, %dma_wait3A_320] : memref<2097152x32xf32, #tpu.memory_space<hbm>> -> memref<2097152x32xf32, #tpu.memory_space<hbm>>
      tpu.wait_indirect_dma semaphore(%arg7 : memref<!tpu.dma_semaphore, #tpu.memory_space<semaphore_mem>>) src(%dma_wait3A_321 : memref<2097152x32xf32, #tpu.memory_space<hbm>>) dst(%dma_wait3A_315 : memref<128x32xf32, #tpu.memory_space<vmem>>)
      %dma_wait3A_322 = arith.constant 0 : i32
      %dma_wait3A_323 = arith.constant 1 : i32
      %dma_wait3A_324 = arith.constant 0 : i32
      %dma_wait3A_325 = arith.constant 1 : i32
      %dma_wait3A_326 = arith.constant 128 : i32
      %dma_wait3A_327 = arith.constant 0 : i32
      %dma_wait3A_328 = tpu.memref_slice %arg6[%dma_wait3A_324, %dma_wait3A_325, %dma_wait3A_326, %dma_wait3A_327] : memref<2x4x192x32xf32, #tpu.memory_space<vmem>> -> memref<1x1x64x32xf32, #tpu.memory_space<vmem>>
      %dma_wait3A_329 = tpu.memref_squeeze %dma_wait3A_328 : memref<1x1x64x32xf32, #tpu.memory_space<vmem>> -> memref<64x32xf32, #tpu.memory_space<vmem>>
      %dma_wait3A_330 = arith.constant 128 : i32
      %dma_wait3A_331 = tpu.memref_slice %arg5[%dma_wait3A_322, %dma_wait3A_323, %dma_wait3A_330] : memref<2x4x192xi32, #tpu.memory_space<vmem>> -> memref<1x1x64xi32, #tpu.memory_space<vmem>>
      %dma_wait3A_332 = tpu.memref_squeeze %dma_wait3A_331 : memref<1x1x64xi32, #tpu.memory_space<vmem>> -> memref<64xi32, #tpu.memory_space<vmem>>
      %dma_wait3A_333 = arith.constant 0 : i32
      %dma_wait3A_334 = arith.constant 0 : i32
      %dma_wait3A_335 = tpu.memref_slice %arg3[%dma_wait3A_333, %dma_wait3A_334] : memref<2097152x32xf32, #tpu.memory_space<hbm>> -> memref<2097152x32xf32, #tpu.memory_space<hbm>>
      tpu.wait_indirect_dma semaphore(%arg7 : memref<!tpu.dma_semaphore, #tpu.memory_space<semaphore_mem>>) src(%dma_wait3A_335 : memref<2097152x32xf32, #tpu.memory_space<hbm>>) dst(%dma_wait3A_329 : memref<64x32xf32, #tpu.memory_space<vmem>>)
      %dma_wait3A_336 = arith.constant 0 : i32
      %dma_wait3A_337 = arith.constant 2 : i32
      %dma_wait3A_338 = arith.constant 0 : i32
      %dma_wait3A_339 = arith.constant 2 : i32
      %dma_wait3A_340 = arith.constant 0 : i32
      %dma_wait3A_341 = arith.constant 0 : i32
      %dma_wait3A_342 = tpu.memref_slice %arg6[%dma_wait3A_338, %dma_wait3A_339, %dma_wait3A_340, %dma_wait3A_341] : memref<2x4x192x32xf32, #tpu.memory_space<vmem>> -> memref<1x1x128x32xf32, #tpu.memory_space<vmem>>
      %dma_wait3A_343 = tpu.memref_squeeze %dma_wait3A_342 : memref<1x1x128x32xf32, #tpu.memory_space<vmem>> -> memref<128x32xf32, #tpu.memory_space<vmem>>
      %dma_wait3A_344 = arith.constant 0 : i32
      %dma_wait3A_345 = tpu.memref_slice %arg5[%dma_wait3A_336, %dma_wait3A_337, %dma_wait3A_344] : memref<2x4x192xi32, #tpu.memory_space<vmem>> -> memref<1x1x128xi32, #tpu.memory_space<vmem>>
      %dma_wait3A_346 = tpu.memref_squeeze %dma_wait3A_345 : memref<1x1x128xi32, #tpu.memory_space<vmem>> -> memref<128xi32, #tpu.memory_space<vmem>>
      %dma_wait3A_347 = arith.constant 0 : i32
      %dma_wait3A_348 = arith.constant 0 : i32
      %dma_wait3A_349 = tpu.memref_slice %arg3[%dma_wait3A_347, %dma_wait3A_348] : memref<2097152x32xf32, #tpu.memory_space<hbm>> -> memref<2097152x32xf32, #tpu.memory_space<hbm>>
      tpu.wait_indirect_dma semaphore(%arg7 : memref<!tpu.dma_semaphore, #tpu.memory_space<semaphore_mem>>) src(%dma_wait3A_349 : memref<2097152x32xf32, #tpu.memory_space<hbm>>) dst(%dma_wait3A_343 : memref<128x32xf32, #tpu.memory_space<vmem>>)
      %dma_wait3A_350 = arith.constant 0 : i32
      %dma_wait3A_351 = arith.constant 2 : i32
      %dma_wait3A_352 = arith.constant 0 : i32
      %dma_wait3A_353 = arith.constant 2 : i32
      %dma_wait3A_354 = arith.constant 128 : i32
      %dma_wait3A_355 = arith.constant 0 : i32
      %dma_wait3A_356 = tpu.memref_slice %arg6[%dma_wait3A_352, %dma_wait3A_353, %dma_wait3A_354, %dma_wait3A_355] : memref<2x4x192x32xf32, #tpu.memory_space<vmem>> -> memref<1x1x64x32xf32, #tpu.memory_space<vmem>>
      %dma_wait3A_357 = tpu.memref_squeeze %dma_wait3A_356 : memref<1x1x64x32xf32, #tpu.memory_space<vmem>> -> memref<64x32xf32, #tpu.memory_space<vmem>>
      %dma_wait3A_358 = arith.constant 128 : i32
      %dma_wait3A_359 = tpu.memref_slice %arg5[%dma_wait3A_350, %dma_wait3A_351, %dma_wait3A_358] : memref<2x4x192xi32, #tpu.memory_space<vmem>> -> memref<1x1x64xi32, #tpu.memory_space<vmem>>
      %dma_wait3A_360 = tpu.memref_squeeze %dma_wait3A_359 : memref<1x1x64xi32, #tpu.memory_space<vmem>> -> memref<64xi32, #tpu.memory_space<vmem>>
      %dma_wait3A_361 = arith.constant 0 : i32
      %dma_wait3A_362 = arith.constant 0 : i32
      %dma_wait3A_363 = tpu.memref_slice %arg3[%dma_wait3A_361, %dma_wait3A_362] : memref<2097152x32xf32, #tpu.memory_space<hbm>> -> memref<2097152x32xf32, #tpu.memory_space<hbm>>
      tpu.wait_indirect_dma semaphore(%arg7 : memref<!tpu.dma_semaphore, #tpu.memory_space<semaphore_mem>>) src(%dma_wait3A_363 : memref<2097152x32xf32, #tpu.memory_space<hbm>>) dst(%dma_wait3A_357 : memref<64x32xf32, #tpu.memory_space<vmem>>)
      %dma_wait3A_364 = arith.constant 0 : i32
      %dma_wait3A_365 = arith.constant 3 : i32
      %dma_wait3A_366 = arith.constant 0 : i32
      %dma_wait3A_367 = arith.constant 3 : i32
      %dma_wait3A_368 = arith.constant 0 : i32
      %dma_wait3A_369 = arith.constant 0 : i32
      %dma_wait3A_370 = tpu.memref_slice %arg6[%dma_wait3A_366, %dma_wait3A_367, %dma_wait3A_368, %dma_wait3A_369] : memref<2x4x192x32xf32, #tpu.memory_space<vmem>> -> memref<1x1x128x32xf32, #tpu.memory_space<vmem>>
      %dma_wait3A_371 = tpu.memref_squeeze %dma_wait3A_370 : memref<1x1x128x32xf32, #tpu.memory_space<vmem>> -> memref<128x32xf32, #tpu.memory_space<vmem>>
      %dma_wait3A_372 = arith.constant 0 : i32
      %dma_wait3A_373 = tpu.memref_slice %arg5[%dma_wait3A_364, %dma_wait3A_365, %dma_wait3A_372] : memref<2x4x192xi32, #tpu.memory_space<vmem>> -> memref<1x1x128xi32, #tpu.memory_space<vmem>>
      %dma_wait3A_374 = tpu.memref_squeeze %dma_wait3A_373 : memref<1x1x128xi32, #tpu.memory_space<vmem>> -> memref<128xi32, #tpu.memory_space<vmem>>
      %dma_wait3A_375 = arith.constant 0 : i32
      %dma_wait3A_376 = arith.constant 0 : i32
      %dma_wait3A_377 = tpu.memref_slice %arg3[%dma_wait3A_375, %dma_wait3A_376] : memref<2097152x32xf32, #tpu.memory_space<hbm>> -> memref<2097152x32xf32, #tpu.memory_space<hbm>>
      tpu.wait_indirect_dma semaphore(%arg7 : memref<!tpu.dma_semaphore, #tpu.memory_space<semaphore_mem>>) src(%dma_wait3A_377 : memref<2097152x32xf32, #tpu.memory_space<hbm>>) dst(%dma_wait3A_371 : memref<128x32xf32, #tpu.memory_space<vmem>>)
      %dma_wait3A_378 = arith.constant 0 : i32
      %dma_wait3A_379 = arith.constant 3 : i32
      %dma_wait3A_380 = arith.constant 0 : i32
      %dma_wait3A_381 = arith.constant 3 : i32
      %dma_wait3A_382 = arith.constant 128 : i32
      %dma_wait3A_383 = arith.constant 0 : i32
      %dma_wait3A_384 = tpu.memref_slice %arg6[%dma_wait3A_380, %dma_wait3A_381, %dma_wait3A_382, %dma_wait3A_383] : memref<2x4x192x32xf32, #tpu.memory_space<vmem>> -> memref<1x1x64x32xf32, #tpu.memory_space<vmem>>
      %dma_wait3A_385 = tpu.memref_squeeze %dma_wait3A_384 : memref<1x1x64x32xf32, #tpu.memory_space<vmem>> -> memref<64x32xf32, #tpu.memory_space<vmem>>
      %dma_wait3A_386 = arith.constant 128 : i32
      %dma_wait3A_387 = tpu.memref_slice %arg5[%dma_wait3A_378, %dma_wait3A_379, %dma_wait3A_386] : memref<2x4x192xi32, #tpu.memory_space<vmem>> -> memref<1x1x64xi32, #tpu.memory_space<vmem>>
      %dma_wait3A_388 = tpu.memref_squeeze %dma_wait3A_387 : memref<1x1x64xi32, #tpu.memory_space<vmem>> -> memref<64xi32, #tpu.memory_space<vmem>>
      %dma_wait3A_389 = arith.constant 0 : i32
      %dma_wait3A_390 = arith.constant 0 : i32
      %dma_wait3A_391 = tpu.memref_slice %arg3[%dma_wait3A_389, %dma_wait3A_390] : memref<2097152x32xf32, #tpu.memory_space<hbm>> -> memref<2097152x32xf32, #tpu.memory_space<hbm>>
      tpu.wait_indirect_dma semaphore(%arg7 : memref<!tpu.dma_semaphore, #tpu.memory_space<semaphore_mem>>) src(%dma_wait3A_391 : memref<2097152x32xf32, #tpu.memory_space<hbm>>) dst(%dma_wait3A_385 : memref<64x32xf32, #tpu.memory_space<vmem>>)
      %mul3A_392 = arith.constant 4 : i32
      %mul3A_393 = arith.muli %mul3A_43, %mul3A_392 : i32
      %add3A_394 = arith.addi %mul3A_2, %mul3A_393 : i32
      %dma_start3A_395 = arith.constant 0 : i32
      %dma_start3A_396 = arith.constant 0 : i32
      %dma_start3A_397 = arith.constant 0 : i32
      %dma_start3A_398 = arith.constant 0 : i32
      %dma_start3A_399 = tpu.memref_slice %arg6[%dma_start3A_395, %dma_start3A_396, %dma_start3A_397, %dma_start3A_398] : memref<2x4x192x32xf32, #tpu.memory_space<vmem>> -> memref<1x4x192x32xf32, #tpu.memory_space<vmem>>
      %dma_start3A_400 = tpu.memref_squeeze %dma_start3A_399 : memref<1x4x192x32xf32, #tpu.memory_space<vmem>> -> memref<4x192x32xf32, #tpu.memory_space<vmem>>
      %dma_start3A_401 = arith.constant 0 : i32
      %dma_start3A_402 = arith.constant 0 : i32
      %dma_start3A_403 = tpu.memref_slice %arg4[%add3A_394, %dma_start3A_401, %dma_start3A_402] : memref<16384x192x32xf32, #tpu.memory_space<hbm>> -> memref<4x192x32xf32, #tpu.memory_space<hbm>>
      %dma_start3A_404 = arith.constant 0 : i32
      %dma_start3A_405 = arith.constant 0 : i32
      %dma_start3A_406 = tpu.memref_slice %arg4[%add3A_394, %dma_start3A_404, %dma_start3A_405] : memref<16384x192x32xf32, #tpu.memory_space<hbm>> -> memref<4x192x32xf32, #tpu.memory_space<hbm>>
      %dma_start3A_407 = arith.constant 0 : i32
      %dma_start3A_408 = arith.constant 0 : i32
      %dma_start3A_409 = arith.constant 0 : i32
      %dma_start3A_410 = tpu.memref_slice %arg6[%dma_start3A_395, %dma_start3A_407, %dma_start3A_408, %dma_start3A_409] : memref<2x4x192x32xf32, #tpu.memory_space<vmem>> -> memref<1x4x192x32xf32, #tpu.memory_space<vmem>>
      %dma_start3A_411 = tpu.memref_squeeze %dma_start3A_410 : memref<1x4x192x32xf32, #tpu.memory_space<vmem>> -> memref<4x192x32xf32, #tpu.memory_space<vmem>>
      tpu.enqueue_dma source(%dma_start3A_411 : memref<4x192x32xf32, #tpu.memory_space<vmem>>) target(%dma_start3A_406 : memref<4x192x32xf32, #tpu.memory_space<hbm>>) target_semaphore(%arg8 : memref<!tpu.dma_semaphore, #tpu.memory_space<semaphore_mem>>)
      %dma_wait3A_412 = arith.constant 1 : i32
      %dma_wait3A_413 = arith.constant 0 : i32
      %dma_wait3A_414 = arith.constant 1 : i32
      %dma_wait3A_415 = arith.constant 0 : i32
      %dma_wait3A_416 = arith.constant 0 : i32
      %dma_wait3A_417 = arith.constant 0 : i32
      %dma_wait3A_418 = tpu.memref_slice %arg6[%dma_wait3A_414, %dma_wait3A_415, %dma_wait3A_416, %dma_wait3A_417] : memref<2x4x192x32xf32, #tpu.memory_space<vmem>> -> memref<1x1x128x32xf32, #tpu.memory_space<vmem>>
      %dma_wait3A_419 = tpu.memref_squeeze %dma_wait3A_418 : memref<1x1x128x32xf32, #tpu.memory_space<vmem>> -> memref<128x32xf32, #tpu.memory_space<vmem>>
      %dma_wait3A_420 = arith.constant 0 : i32
      %dma_wait3A_421 = tpu.memref_slice %arg5[%dma_wait3A_412, %dma_wait3A_413, %dma_wait3A_420] : memref<2x4x192xi32, #tpu.memory_space<vmem>> -> memref<1x1x128xi32, #tpu.memory_space<vmem>>
      %dma_wait3A_422 = tpu.memref_squeeze %dma_wait3A_421 : memref<1x1x128xi32, #tpu.memory_space<vmem>> -> memref<128xi32, #tpu.memory_space<vmem>>
      %dma_wait3A_423 = arith.constant 0 : i32
      %dma_wait3A_424 = arith.constant 0 : i32
      %dma_wait3A_425 = tpu.memref_slice %arg3[%dma_wait3A_423, %dma_wait3A_424] : memref<2097152x32xf32, #tpu.memory_space<hbm>> -> memref<2097152x32xf32, #tpu.memory_space<hbm>>
      tpu.wait_indirect_dma semaphore(%arg7 : memref<!tpu.dma_semaphore, #tpu.memory_space<semaphore_mem>>) src(%dma_wait3A_425 : memref<2097152x32xf32, #tpu.memory_space<hbm>>) dst(%dma_wait3A_419 : memref<128x32xf32, #tpu.memory_space<vmem>>)
      %dma_wait3A_426 = arith.constant 1 : i32
      %dma_wait3A_427 = arith.constant 0 : i32
      %dma_wait3A_428 = arith.constant 1 : i32
      %dma_wait3A_429 = arith.constant 0 : i32
      %dma_wait3A_430 = arith.constant 128 : i32
      %dma_wait3A_431 = arith.constant 0 : i32
      %dma_wait3A_432 = tpu.memref_slice %arg6[%dma_wait3A_428, %dma_wait3A_429, %dma_wait3A_430, %dma_wait3A_431] : memref<2x4x192x32xf32, #tpu.memory_space<vmem>> -> memref<1x1x64x32xf32, #tpu.memory_space<vmem>>
      %dma_wait3A_433 = tpu.memref_squeeze %dma_wait3A_432 : memref<1x1x64x32xf32, #tpu.memory_space<vmem>> -> memref<64x32xf32, #tpu.memory_space<vmem>>
      %dma_wait3A_434 = arith.constant 128 : i32
      %dma_wait3A_435 = tpu.memref_slice %arg5[%dma_wait3A_426, %dma_wait3A_427, %dma_wait3A_434] : memref<2x4x192xi32, #tpu.memory_space<vmem>> -> memref<1x1x64xi32, #tpu.memory_space<vmem>>
      %dma_wait3A_436 = tpu.memref_squeeze %dma_wait3A_435 : memref<1x1x64xi32, #tpu.memory_space<vmem>> -> memref<64xi32, #tpu.memory_space<vmem>>
      %dma_wait3A_437 = arith.constant 0 : i32
      %dma_wait3A_438 = arith.constant 0 : i32
      %dma_wait3A_439 = tpu.memref_slice %arg3[%dma_wait3A_437, %dma_wait3A_438] : memref<2097152x32xf32, #tpu.memory_space<hbm>> -> memref<2097152x32xf32, #tpu.memory_space<hbm>>
      tpu.wait_indirect_dma semaphore(%arg7 : memref<!tpu.dma_semaphore, #tpu.memory_space<semaphore_mem>>) src(%dma_wait3A_439 : memref<2097152x32xf32, #tpu.memory_space<hbm>>) dst(%dma_wait3A_433 : memref<64x32xf32, #tpu.memory_space<vmem>>)
      %dma_wait3A_440 = arith.constant 1 : i32
      %dma_wait3A_441 = arith.constant 1 : i32
      %dma_wait3A_442 = arith.constant 1 : i32
      %dma_wait3A_443 = arith.constant 1 : i32
      %dma_wait3A_444 = arith.constant 0 : i32
      %dma_wait3A_445 = arith.constant 0 : i32
      %dma_wait3A_446 = tpu.memref_slice %arg6[%dma_wait3A_442, %dma_wait3A_443, %dma_wait3A_444, %dma_wait3A_445] : memref<2x4x192x32xf32, #tpu.memory_space<vmem>> -> memref<1x1x128x32xf32, #tpu.memory_space<vmem>>
      %dma_wait3A_447 = tpu.memref_squeeze %dma_wait3A_446 : memref<1x1x128x32xf32, #tpu.memory_space<vmem>> -> memref<128x32xf32, #tpu.memory_space<vmem>>
      %dma_wait3A_448 = arith.constant 0 : i32
      %dma_wait3A_449 = tpu.memref_slice %arg5[%dma_wait3A_440, %dma_wait3A_441, %dma_wait3A_448] : memref<2x4x192xi32, #tpu.memory_space<vmem>> -> memref<1x1x128xi32, #tpu.memory_space<vmem>>
      %dma_wait3A_450 = tpu.memref_squeeze %dma_wait3A_449 : memref<1x1x128xi32, #tpu.memory_space<vmem>> -> memref<128xi32, #tpu.memory_space<vmem>>
      %dma_wait3A_451 = arith.constant 0 : i32
      %dma_wait3A_452 = arith.constant 0 : i32
      %dma_wait3A_453 = tpu.memref_slice %arg3[%dma_wait3A_451, %dma_wait3A_452] : memref<2097152x32xf32, #tpu.memory_space<hbm>> -> memref<2097152x32xf32, #tpu.memory_space<hbm>>
      tpu.wait_indirect_dma semaphore(%arg7 : memref<!tpu.dma_semaphore, #tpu.memory_space<semaphore_mem>>) src(%dma_wait3A_453 : memref<2097152x32xf32, #tpu.memory_space<hbm>>) dst(%dma_wait3A_447 : memref<128x32xf32, #tpu.memory_space<vmem>>)
      %dma_wait3A_454 = arith.constant 1 : i32
      %dma_wait3A_455 = arith.constant 1 : i32
      %dma_wait3A_456 = arith.constant 1 : i32
      %dma_wait3A_457 = arith.constant 1 : i32
      %dma_wait3A_458 = arith.constant 128 : i32
      %dma_wait3A_459 = arith.constant 0 : i32
      %dma_wait3A_460 = tpu.memref_slice %arg6[%dma_wait3A_456, %dma_wait3A_457, %dma_wait3A_458, %dma_wait3A_459] : memref<2x4x192x32xf32, #tpu.memory_space<vmem>> -> memref<1x1x64x32xf32, #tpu.memory_space<vmem>>
      %dma_wait3A_461 = tpu.memref_squeeze %dma_wait3A_460 : memref<1x1x64x32xf32, #tpu.memory_space<vmem>> -> memref<64x32xf32, #tpu.memory_space<vmem>>
      %dma_wait3A_462 = arith.constant 128 : i32
      %dma_wait3A_463 = tpu.memref_slice %arg5[%dma_wait3A_454, %dma_wait3A_455, %dma_wait3A_462] : memref<2x4x192xi32, #tpu.memory_space<vmem>> -> memref<1x1x64xi32, #tpu.memory_space<vmem>>
      %dma_wait3A_464 = tpu.memref_squeeze %dma_wait3A_463 : memref<1x1x64xi32, #tpu.memory_space<vmem>> -> memref<64xi32, #tpu.memory_space<vmem>>
      %dma_wait3A_465 = arith.constant 0 : i32
      %dma_wait3A_466 = arith.constant 0 : i32
      %dma_wait3A_467 = tpu.memref_slice %arg3[%dma_wait3A_465, %dma_wait3A_466] : memref<2097152x32xf32, #tpu.memory_space<hbm>> -> memref<2097152x32xf32, #tpu.memory_space<hbm>>
      tpu.wait_indirect_dma semaphore(%arg7 : memref<!tpu.dma_semaphore, #tpu.memory_space<semaphore_mem>>) src(%dma_wait3A_467 : memref<2097152x32xf32, #tpu.memory_space<hbm>>) dst(%dma_wait3A_461 : memref<64x32xf32, #tpu.memory_space<vmem>>)
      %dma_wait3A_468 = arith.constant 1 : i32
      %dma_wait3A_469 = arith.constant 2 : i32
      %dma_wait3A_470 = arith.constant 1 : i32
      %dma_wait3A_471 = arith.constant 2 : i32
      %dma_wait3A_472 = arith.constant 0 : i32
      %dma_wait3A_473 = arith.constant 0 : i32
      %dma_wait3A_474 = tpu.memref_slice %arg6[%dma_wait3A_470, %dma_wait3A_471, %dma_wait3A_472, %dma_wait3A_473] : memref<2x4x192x32xf32, #tpu.memory_space<vmem>> -> memref<1x1x128x32xf32, #tpu.memory_space<vmem>>
      %dma_wait3A_475 = tpu.memref_squeeze %dma_wait3A_474 : memref<1x1x128x32xf32, #tpu.memory_space<vmem>> -> memref<128x32xf32, #tpu.memory_space<vmem>>
      %dma_wait3A_476 = arith.constant 0 : i32
      %dma_wait3A_477 = tpu.memref_slice %arg5[%dma_wait3A_468, %dma_wait3A_469, %dma_wait3A_476] : memref<2x4x192xi32, #tpu.memory_space<vmem>> -> memref<1x1x128xi32, #tpu.memory_space<vmem>>
      %dma_wait3A_478 = tpu.memref_squeeze %dma_wait3A_477 : memref<1x1x128xi32, #tpu.memory_space<vmem>> -> memref<128xi32, #tpu.memory_space<vmem>>
      %dma_wait3A_479 = arith.constant 0 : i32
      %dma_wait3A_480 = arith.constant 0 : i32
      %dma_wait3A_481 = tpu.memref_slice %arg3[%dma_wait3A_479, %dma_wait3A_480] : memref<2097152x32xf32, #tpu.memory_space<hbm>> -> memref<2097152x32xf32, #tpu.memory_space<hbm>>
      tpu.wait_indirect_dma semaphore(%arg7 : memref<!tpu.dma_semaphore, #tpu.memory_space<semaphore_mem>>) src(%dma_wait3A_481 : memref<2097152x32xf32, #tpu.memory_space<hbm>>) dst(%dma_wait3A_475 : memref<128x32xf32, #tpu.memory_space<vmem>>)
      %dma_wait3A_482 = arith.constant 1 : i32
      %dma_wait3A_483 = arith.constant 2 : i32
      %dma_wait3A_484 = arith.constant 1 : i32
      %dma_wait3A_485 = arith.constant 2 : i32
      %dma_wait3A_486 = arith.constant 128 : i32
      %dma_wait3A_487 = arith.constant 0 : i32
      %dma_wait3A_488 = tpu.memref_slice %arg6[%dma_wait3A_484, %dma_wait3A_485, %dma_wait3A_486, %dma_wait3A_487] : memref<2x4x192x32xf32, #tpu.memory_space<vmem>> -> memref<1x1x64x32xf32, #tpu.memory_space<vmem>>
      %dma_wait3A_489 = tpu.memref_squeeze %dma_wait3A_488 : memref<1x1x64x32xf32, #tpu.memory_space<vmem>> -> memref<64x32xf32, #tpu.memory_space<vmem>>
      %dma_wait3A_490 = arith.constant 128 : i32
      %dma_wait3A_491 = tpu.memref_slice %arg5[%dma_wait3A_482, %dma_wait3A_483, %dma_wait3A_490] : memref<2x4x192xi32, #tpu.memory_space<vmem>> -> memref<1x1x64xi32, #tpu.memory_space<vmem>>
      %dma_wait3A_492 = tpu.memref_squeeze %dma_wait3A_491 : memref<1x1x64xi32, #tpu.memory_space<vmem>> -> memref<64xi32, #tpu.memory_space<vmem>>
      %dma_wait3A_493 = arith.constant 0 : i32
      %dma_wait3A_494 = arith.constant 0 : i32
      %dma_wait3A_495 = tpu.memref_slice %arg3[%dma_wait3A_493, %dma_wait3A_494] : memref<2097152x32xf32, #tpu.memory_space<hbm>> -> memref<2097152x32xf32, #tpu.memory_space<hbm>>
      tpu.wait_indirect_dma semaphore(%arg7 : memref<!tpu.dma_semaphore, #tpu.memory_space<semaphore_mem>>) src(%dma_wait3A_495 : memref<2097152x32xf32, #tpu.memory_space<hbm>>) dst(%dma_wait3A_489 : memref<64x32xf32, #tpu.memory_space<vmem>>)
      %dma_wait3A_496 = arith.constant 1 : i32
      %dma_wait3A_497 = arith.constant 3 : i32
      %dma_wait3A_498 = arith.constant 1 : i32
      %dma_wait3A_499 = arith.constant 3 : i32
      %dma_wait3A_500 = arith.constant 0 : i32
      %dma_wait3A_501 = arith.constant 0 : i32
      %dma_wait3A_502 = tpu.memref_slice %arg6[%dma_wait3A_498, %dma_wait3A_499, %dma_wait3A_500, %dma_wait3A_501] : memref<2x4x192x32xf32, #tpu.memory_space<vmem>> -> memref<1x1x128x32xf32, #tpu.memory_space<vmem>>
      %dma_wait3A_503 = tpu.memref_squeeze %dma_wait3A_502 : memref<1x1x128x32xf32, #tpu.memory_space<vmem>> -> memref<128x32xf32, #tpu.memory_space<vmem>>
      %dma_wait3A_504 = arith.constant 0 : i32
      %dma_wait3A_505 = tpu.memref_slice %arg5[%dma_wait3A_496, %dma_wait3A_497, %dma_wait3A_504] : memref<2x4x192xi32, #tpu.memory_space<vmem>> -> memref<1x1x128xi32, #tpu.memory_space<vmem>>
      %dma_wait3A_506 = tpu.memref_squeeze %dma_wait3A_505 : memref<1x1x128xi32, #tpu.memory_space<vmem>> -> memref<128xi32, #tpu.memory_space<vmem>>
      %dma_wait3A_507 = arith.constant 0 : i32
      %dma_wait3A_508 = arith.constant 0 : i32
      %dma_wait3A_509 = tpu.memref_slice %arg3[%dma_wait3A_507, %dma_wait3A_508] : memref<2097152x32xf32, #tpu.memory_space<hbm>> -> memref<2097152x32xf32, #tpu.memory_space<hbm>>
      tpu.wait_indirect_dma semaphore(%arg7 : memref<!tpu.dma_semaphore, #tpu.memory_space<semaphore_mem>>) src(%dma_wait3A_509 : memref<2097152x32xf32, #tpu.memory_space<hbm>>) dst(%dma_wait3A_503 : memref<128x32xf32, #tpu.memory_space<vmem>>)
      %dma_wait3A_510 = arith.constant 1 : i32
      %dma_wait3A_511 = arith.constant 3 : i32
      %dma_wait3A_512 = arith.constant 1 : i32
      %dma_wait3A_513 = arith.constant 3 : i32
      %dma_wait3A_514 = arith.constant 128 : i32
      %dma_wait3A_515 = arith.constant 0 : i32
      %dma_wait3A_516 = tpu.memref_slice %arg6[%dma_wait3A_512, %dma_wait3A_513, %dma_wait3A_514, %dma_wait3A_515] : memref<2x4x192x32xf32, #tpu.memory_space<vmem>> -> memref<1x1x64x32xf32, #tpu.memory_space<vmem>>
      %dma_wait3A_517 = tpu.memref_squeeze %dma_wait3A_516 : memref<1x1x64x32xf32, #tpu.memory_space<vmem>> -> memref<64x32xf32, #tpu.memory_space<vmem>>
      %dma_wait3A_518 = arith.constant 128 : i32
      %dma_wait3A_519 = tpu.memref_slice %arg5[%dma_wait3A_510, %dma_wait3A_511, %dma_wait3A_518] : memref<2x4x192xi32, #tpu.memory_space<vmem>> -> memref<1x1x64xi32, #tpu.memory_space<vmem>>
      %dma_wait3A_520 = tpu.memref_squeeze %dma_wait3A_519 : memref<1x1x64xi32, #tpu.memory_space<vmem>> -> memref<64xi32, #tpu.memory_space<vmem>>
      %dma_wait3A_521 = arith.constant 0 : i32
      %dma_wait3A_522 = arith.constant 0 : i32
      %dma_wait3A_523 = tpu.memref_slice %arg3[%dma_wait3A_521, %dma_wait3A_522] : memref<2097152x32xf32, #tpu.memory_space<hbm>> -> memref<2097152x32xf32, #tpu.memory_space<hbm>>
      tpu.wait_indirect_dma semaphore(%arg7 : memref<!tpu.dma_semaphore, #tpu.memory_space<semaphore_mem>>) src(%dma_wait3A_523 : memref<2097152x32xf32, #tpu.memory_space<hbm>>) dst(%dma_wait3A_517 : memref<64x32xf32, #tpu.memory_space<vmem>>)
      %mul3A_524 = arith.constant 4 : i32
      %mul3A_525 = arith.muli %add3A_47, %mul3A_524 : i32
      %add3A_526 = arith.addi %mul3A_2, %mul3A_525 : i32
      %dma_start3A_527 = arith.constant 1 : i32
      %dma_start3A_528 = arith.constant 0 : i32
      %dma_start3A_529 = arith.constant 0 : i32
      %dma_start3A_530 = arith.constant 0 : i32
      %dma_start3A_531 = tpu.memref_slice %arg6[%dma_start3A_527, %dma_start3A_528, %dma_start3A_529, %dma_start3A_530] : memref<2x4x192x32xf32, #tpu.memory_space<vmem>> -> memref<1x4x192x32xf32, #tpu.memory_space<vmem>>
      %dma_start3A_532 = tpu.memref_squeeze %dma_start3A_531 : memref<1x4x192x32xf32, #tpu.memory_space<vmem>> -> memref<4x192x32xf32, #tpu.memory_space<vmem>>
      %dma_start3A_533 = arith.constant 0 : i32
      %dma_start3A_534 = arith.constant 0 : i32
      %dma_start3A_535 = tpu.memref_slice %arg4[%add3A_526, %dma_start3A_533, %dma_start3A_534] : memref<16384x192x32xf32, #tpu.memory_space<hbm>> -> memref<4x192x32xf32, #tpu.memory_space<hbm>>
      %dma_start3A_536 = arith.constant 0 : i32
      %dma_start3A_537 = arith.constant 0 : i32
      %dma_start3A_538 = tpu.memref_slice %arg4[%add3A_526, %dma_start3A_536, %dma_start3A_537] : memref<16384x192x32xf32, #tpu.memory_space<hbm>> -> memref<4x192x32xf32, #tpu.memory_space<hbm>>
      %dma_start3A_539 = arith.constant 0 : i32
      %dma_start3A_540 = arith.constant 0 : i32
      %dma_start3A_541 = arith.constant 0 : i32
      %dma_start3A_542 = tpu.memref_slice %arg6[%dma_start3A_527, %dma_start3A_539, %dma_start3A_540, %dma_start3A_541] : memref<2x4x192x32xf32, #tpu.memory_space<vmem>> -> memref<1x4x192x32xf32, #tpu.memory_space<vmem>>
      %dma_start3A_543 = tpu.memref_squeeze %dma_start3A_542 : memref<1x4x192x32xf32, #tpu.memory_space<vmem>> -> memref<4x192x32xf32, #tpu.memory_space<vmem>>
      tpu.enqueue_dma source(%dma_start3A_543 : memref<4x192x32xf32, #tpu.memory_space<vmem>>) target(%dma_start3A_538 : memref<4x192x32xf32, #tpu.memory_space<hbm>>) target_semaphore(%arg8 : memref<!tpu.dma_semaphore, #tpu.memory_space<semaphore_mem>>)
    }
    %scan3A_7 = arith.constant 64 : i32
    %dma_wait3A = arith.constant 0 : i32
    %dma_wait3A_8 = arith.constant 0 : i32
    %dma_wait3A_9 = arith.constant 0 : i32
    %dma_wait3A_10 = arith.constant 0 : i32
    %dma_wait3A_11 = tpu.memref_slice %arg6[%dma_wait3A, %dma_wait3A_8, %dma_wait3A_9, %dma_wait3A_10] : memref<2x4x192x32xf32, #tpu.memory_space<vmem>> -> memref<1x4x192x32xf32, #tpu.memory_space<vmem>>
    %dma_wait3A_12 = tpu.memref_squeeze %dma_wait3A_11 : memref<1x4x192x32xf32, #tpu.memory_space<vmem>> -> memref<4x192x32xf32, #tpu.memory_space<vmem>>
    %dma_wait3A_13 = arith.constant 0 : i32
    %dma_wait3A_14 = arith.constant 0 : i32
    %dma_wait3A_15 = tpu.memref_slice %arg4[%mul3A_2, %dma_wait3A_13, %dma_wait3A_14] : memref<16384x192x32xf32, #tpu.memory_space<hbm>> -> memref<4x192x32xf32, #tpu.memory_space<hbm>>
    %dma_wait3A_16 = arith.constant 0 : i32
    %dma_wait3A_17 = arith.constant 0 : i32
    %dma_wait3A_18 = tpu.memref_slice %arg4[%mul3A_2, %dma_wait3A_16, %dma_wait3A_17] : memref<16384x192x32xf32, #tpu.memory_space<hbm>> -> memref<4x192x32xf32, #tpu.memory_space<hbm>>
    %dma_wait3A_19 = arith.constant 0 : i32
    %dma_wait3A_20 = arith.constant 0 : i32
    %dma_wait3A_21 = arith.constant 0 : i32
    %dma_wait3A_22 = tpu.memref_slice %arg6[%dma_wait3A, %dma_wait3A_19, %dma_wait3A_20, %dma_wait3A_21] : memref<2x4x192x32xf32, #tpu.memory_space<vmem>> -> memref<1x4x192x32xf32, #tpu.memory_space<vmem>>
    %dma_wait3A_23 = tpu.memref_squeeze %dma_wait3A_22 : memref<1x4x192x32xf32, #tpu.memory_space<vmem>> -> memref<4x192x32xf32, #tpu.memory_space<vmem>>
    tpu.wait_dma2 semaphore(%arg8 : memref<!tpu.dma_semaphore, #tpu.memory_space<semaphore_mem>>) src(%dma_wait3A_23 : memref<4x192x32xf32, #tpu.memory_space<vmem>>) dst(%dma_wait3A_18 : memref<4x192x32xf32, #tpu.memory_space<hbm>>)
    %dma_wait3A_24 = arith.constant 1 : i32
    %dma_wait3A_25 = arith.constant 0 : i32
    %dma_wait3A_26 = arith.constant 0 : i32
    %dma_wait3A_27 = arith.constant 0 : i32
    %dma_wait3A_28 = tpu.memref_slice %arg6[%dma_wait3A_24, %dma_wait3A_25, %dma_wait3A_26, %dma_wait3A_27] : memref<2x4x192x32xf32, #tpu.memory_space<vmem>> -> memref<1x4x192x32xf32, #tpu.memory_space<vmem>>
    %dma_wait3A_29 = tpu.memref_squeeze %dma_wait3A_28 : memref<1x4x192x32xf32, #tpu.memory_space<vmem>> -> memref<4x192x32xf32, #tpu.memory_space<vmem>>
    %dma_wait3A_30 = arith.constant 0 : i32
    %dma_wait3A_31 = arith.constant 0 : i32
    %dma_wait3A_32 = tpu.memref_slice %arg4[%mul3A_2, %dma_wait3A_30, %dma_wait3A_31] : memref<16384x192x32xf32, #tpu.memory_space<hbm>> -> memref<4x192x32xf32, #tpu.memory_space<hbm>>
    %dma_wait3A_33 = arith.constant 0 : i32
    %dma_wait3A_34 = arith.constant 0 : i32
    %dma_wait3A_35 = tpu.memref_slice %arg4[%mul3A_2, %dma_wait3A_33, %dma_wait3A_34] : memref<16384x192x32xf32, #tpu.memory_space<hbm>> -> memref<4x192x32xf32, #tpu.memory_space<hbm>>
    %dma_wait3A_36 = arith.constant 0 : i32
    %dma_wait3A_37 = arith.constant 0 : i32
    %dma_wait3A_38 = arith.constant 0 : i32
    %dma_wait3A_39 = tpu.memref_slice %arg6[%dma_wait3A_24, %dma_wait3A_36, %dma_wait3A_37, %dma_wait3A_38] : memref<2x4x192x32xf32, #tpu.memory_space<vmem>> -> memref<1x4x192x32xf32, #tpu.memory_space<vmem>>
    %dma_wait3A_40 = tpu.memref_squeeze %dma_wait3A_39 : memref<1x4x192x32xf32, #tpu.memory_space<vmem>> -> memref<4x192x32xf32, #tpu.memory_space<vmem>>
    tpu.wait_dma2 semaphore(%arg8 : memref<!tpu.dma_semaphore, #tpu.memory_space<semaphore_mem>>) src(%dma_wait3A_40 : memref<4x192x32xf32, #tpu.memory_space<vmem>>) dst(%dma_wait3A_35 : memref<4x192x32xf32, #tpu.memory_space<hbm>>)
    return
  }
}

</mosaic_0001>

<sc_bundles>
// kernel: kernel.3.cloned.1.call-start
scs
__scs_entry_jumppad:
0x0: {  	(pc) =	sbr.rel $0x88, $3  }
0x1: {  	(tag) =	ssettag $0x0;
	lr =	simm.s32 $0x1  }
0x2: {  	[smem:$0x3F9F] =	sst lr;
	_ =	strace $0xD0000000  }
0x3: {  	_ = 	snop  }
0x4: {  	_ = 	snop  }
0x5: {  	_ = 	snop  }
0x6: {  	_ = 	snop  }
0x7: {  	_ = 	snop  }
__scs_overlays_trampoline_lowered:
0x8: {  	[smem:$0x3FAE] =	sst s0  }
0x9: {  	[smem:$0x3FAF] =	sst s1  }
0xa: {  	[smem:$0x3FB0] =	sst s2  }
0xb: {  	[smem:$0x3FB1] =	sst s3  }
0xc: {  	[smem:$0x3FB2] =	sst s4  }
0xd: {  	[smem:$0x3FB3] =	sst s5  }
0xe: {  	[smem:$0x3FB4] =	sst s6  }
0xf: {  	[smem:$0x3FB5] =	sst s7  }
0x10: {  	[smem:$0x3FB6] =	sst s8  }
0x11: {  	[smem:$0x3FB7] =	sst s9;
	s0 =	simm.s32 @!p0 $0x0  }
0x12: {  	s1 =	sld [smem:$0x3F9D];
	s0 =	simm.s32 @p0 $0x1  }
0x13: {  	[smem:$0x3FB8] =	sst s0;
	s0 =	simm.s32 @!p1 $0x0  }
0x14: {  	s2 =	sld [smem:$0x3F9C];
	s0 =	simm.s32 @p1 $0x1  }
0x15: {  	[smem:$0x3FB9] =	sst s0;
	s0 =	simm.s32 @!p2 $0x0  }
0x16: {  	s3 =	sld [smem:$0x3FDB];
	s0 =	simm.s32 @p2 $0x1  }
0x17: {  	s4 =	simm.s32 $0x1BF5;
	[smem:$0x3FBB] =	sst s0  }
0x18: {  	s0 =	sld [smem:$0x3F9E];
	_ =	swait.ge [sflag:s4], $0x0  }
0x19: {  	s7 =	sld [smem:$0x3F9F]  }
0x1a: {  	s8 =	sadd.s32 $0xFFFFE003, lr  }
0x1b: {  	s9 =	sadd.s32 $0xFFFFFEF7, lr;
	s5 =	simm.s32 $0xFFFFFFFF;
	p2 =	slt.u32 s8, $0xFFFFF086  }
0x1c: {  	p1 =	slt.u32 s9, $0xF7A;
	s5 =	simm.s32 @!p2 $0x0  }
0x1d: {  	s5 =	simm.s32 @p1 $0x1;
	p0 =	seq.s32 s7, s2  }
0x1e: {  	s7 =	smul.u32 @!p0 $0xF7A, s2;
	p2 =	seq.s32 @!p0 s5, $0x0  }
0x1f: {  	s9 =	smul.u32 $0xF7A, s1;
	s8 =	simm.s32 @!p0 $0x1BF5;
	p2 =	por !p2, p0  }
0x20: {  	[sflag:s8] =	ssyncset.s32 @!p0 $0xFFFFF086;
	s6 =	sadd.s32 @!p0 s3, s7;
	s7 =	simm.s32 @!p0 $0x108  }
0x21: {  	s3 =	sadd.s32 s3, s9;
	s6 =	sadd.s32 @!p0 $0x88, s6;
	s7 =	simm.s32 @p2 $0x1082  }
0x22: {  	[simem:s7], [sflag:s8] =	dma.local @!p0 [hbm:s6], $0xF7A  }
0x23: {  	s9 =	sor.u32 $0xD0000000, s2;
	s6 =	simm.s32 $0x108;
	_ =	swait.ge @!p0 [sflag:s8], $0x0  }
0x24: {  	s3 =	sadd.s32 $0x88, s3;
	s6 =	simm.s32 @!p1 $0x1082;
	[sflag:s4] =	ssyncset.s32 $0xFFFFF086  }
0x25: {  	[simem:s6], [sflag:s4] =	dma.local [hbm:s3], $0xF7A  }
0x26: {  	[smem:$0x3F9F] =	sst s1;
	(tag) =	ssettag s2;
	_ =	strace s9  }
0x27: {  	s1 =	sld [smem:$0x3FAF]  }
0x28: {  	s2 =	sld [smem:$0x3FB0]  }
0x29: {  	s4 =	sld [smem:$0x3FB2]  }
0x2a: {  	p0 =	seq.s32 s5, $0x0;
	s5 =	sld [smem:$0x3FB3]  }
0x2b: {  	s6 =	sld [smem:$0x3FB4]  }
0x2c: {  	s7 =	sld [smem:$0x3FB5]  }
0x2d: {  	s3 =	simm.s32 $0x108;
	s8 =	sld [smem:$0x3FB6]  }
0x2e: {  	s3 =	simm.s32 @!p0 $0x1082;
	s9 =	sld [smem:$0x3FB7]  }
0x2f: {  	lr =	sadd.s32 s0, s3;
	s0 =	sld [smem:$0x3FAE]  }
0x30: {  	s3 =	sld [smem:$0x3FB1]  }
0x31: {  	[smem:$0x3FBA] =	sst s10  }
0x32: {  	s10 =	sld [smem:$0x3FB8];
	_ =	sdelay $0x3  }
0x33: {  	p0 =	seq.s32 s10, $0x1;
	s10 =	sld [smem:$0x3FBA];
	_ =	sdelay $0x3  }
0x34: {  	[smem:$0x3FBA] =	sst s10  }
0x35: {  	s10 =	sld [smem:$0x3FB9];
	_ =	sdelay $0x3  }
0x36: {  	p1 =	seq.s32 s10, $0x1;
	s10 =	sld [smem:$0x3FBA];
	_ =	sdelay $0x3  }
0x37: {  	[smem:$0x3FBA] =	sst s10  }
0x38: {  	s10 =	sld [smem:$0x3FBB]  }
0x39: {  	_ = 	snop;
	(pc) =	sbr.ind lr, $3  }
0x3a: {  	_ = 	snop  }
0x3b: {  	_ = 	snop  }
0x3c: {  	p2 =	seq.s32 s10, $0x1;
	s10 =	sld [smem:$0x3FBA]  }
0x3d: {  	_ =	shalt  }
0x3e: {  	_ =	shalt  }
0x3f: {  	_ =	shalt  }
0x40: {  	_ =	shalt  }
0x41: {  	_ =	shalt  }
0x42: {  	_ =	shalt  }
0x43: {  	_ =	shalt  }
0x44: {  	_ =	shalt  }
0x45: {  	_ =	shalt  }
0x46: {  	_ =	shalt  }
0x47: {  	_ =	shalt  }
0x48: {  	_ =	shalt  }
0x49: {  	_ =	shalt  }
0x4a: {  	_ =	shalt  }
0x4b: {  	_ =	shalt  }
0x4c: {  	_ =	shalt  }
0x4d: {  	_ =	shalt  }
0x4e: {  	_ =	shalt  }
0x4f: {  	_ =	shalt  }
0x50: {  	_ =	shalt  }
0x51: {  	_ =	shalt  }
0x52: {  	_ =	shalt  }
0x53: {  	_ =	shalt  }
0x54: {  	_ =	shalt  }
0x55: {  	_ =	shalt  }
0x56: {  	_ =	shalt  }
0x57: {  	_ =	shalt  }
0x58: {  	_ =	shalt  }
0x59: {  	_ =	shalt  }
0x5a: {  	_ =	shalt  }
0x5b: {  	_ =	shalt  }
0x5c: {  	_ =	shalt  }
0x5d: {  	_ =	shalt  }
0x5e: {  	_ =	shalt  }
0x5f: {  	_ =	shalt  }
0x60: {  	_ =	shalt  }
0x61: {  	_ =	shalt  }
0x62: {  	_ =	shalt  }
0x63: {  	_ =	shalt  }
0x64: {  	_ =	shalt  }
0x65: {  	_ =	shalt  }
0x66: {  	_ =	shalt  }
0x67: {  	_ =	shalt  }
0x68: {  	_ =	shalt  }
0x69: {  	_ =	shalt  }
0x6a: {  	_ =	shalt  }
0x6b: {  	_ =	shalt  }
0x6c: {  	_ =	shalt  }
0x6d: {  	_ =	shalt  }
0x6e: {  	_ =	shalt  }
0x6f: {  	_ =	shalt  }
0x70: {  	_ =	shalt  }
0x71: {  	_ =	shalt  }
0x72: {  	_ =	shalt  }
0x73: {  	_ =	shalt  }
0x74: {  	_ =	shalt  }
0x75: {  	_ =	shalt  }
0x76: {  	_ =	shalt  }
0x77: {  	_ =	shalt  }
0x78: {  	_ =	shalt  }
0x79: {  	_ =	shalt  }
0x7a: {  	_ =	shalt  }
0x7b: {  	_ =	shalt  }
0x7c: {  	_ =	shalt  }
0x7d: {  	_ =	shalt  }
0x7e: {  	_ =	shalt  }
0x7f: {  	_ =	shalt  }
0x80: {  	_ =	shalt  }
0x81: {  	_ =	shalt  }
0x82: {  	_ =	shalt  }
0x83: {  	_ =	shalt  }
0x84: {  	_ =	shalt  }
0x85: {  	_ =	shalt  }
0x86: {  	_ =	shalt  }
0x87: {  	_ =	shalt  }
.Lfunc_end0:
.L_simem_size_0:
called_computation.2_lowered:
.L_overlay_start_0:
0x88: {  	s2 =	sld [smem:$0x3FD9]  }
0x89: {  	s3 =	sld [smem:$0x3FFE];
	_ =	sdelay $0x1  }
0x8a: {  	s1 =	srdreg.scid  }
0x8b: {  	s0 =	sand.u32 $0x1, s1  }
0x8c: {  	s17 =	sshll.u32 s0, $0xA;
	s2 =	sadd.s32 s3, s2  }
0x8d: {  	s2 =	sadd.s32 s2, s17  }
0x8e: {  	[smem:$0x3FC6] =	sst s2  }
0x8f: {  	_ = 	snop  }
0x90: {  	s2 =	sld [smem:$0x3FD0];
	(tm) =	ssettm $0x1  }
0x91: {  	s18 =	sld [smem:$0x3FFB];
	_ =	sdelay $0x3  }
0x92: {  	_ =	strace s18  }
0x93: {  	s3 =	sld [smem:$0x3FFC];
	_ =	sdelay $0x3  }
0x94: {  	_ =	strace s3  }
0x95: {  	s3 =	sld [smem:$0x3FFD];
	_ =	sdelay $0x3  }
0x96: {  	_ =	strace s3  }
0x97: {  	_ =	strace $0x8FFFFFFF  }
0x98: {  	s19 =	sld [smem:$0x3FDB];
	_ =	sdelay $0x1  }
0x99: {  	s4 =	simm.s32 $_scs_section_size  }
0x9a: {  	s5 =	simm.s32 $_size__tile_overlayer_lowered;
	s6 =	simm.s32 $_tile_overlayer_lowered  }
0x9b: {  	s22 =	simm.s32 $0x1BFF;
	s21 =	sshll.u32 s6, $0x1;
	s3 =	sadd.s32 s4, s19  }
0x9c: {  	s7 =	simm.s32 $0x0;
	s20 =	sshll.u32 s5, $0x1;
	s5 =	sadd.s32 s21, s3  }
0x9d: {  	[timem:s7], [sflag:s22] =	dma.local [hbm:s5], s20  }
0x9e: {  	_ =	swait.ge [sflag:s22], s20  }
0x9f: {  	s4 =	ssub.s32 $0x0, s20;
	[sflag:s22] =	ssyncset.done $0x0  }
0xa0: {  	[sflag:s22] =	ssyncadd.s32 s4;
	_ =	sdelay $0x1  }
0xa1: {  	s23 =	simm.s32 $0x1B8B  }
0xa2: {  	_ =	swait.ge [sflag:s23], $0x1  }
0xa3: {  	[sflag:s23] =	ssyncset.done $0x0  }
0xa4: {  	s25 =	simm.s32 $0x1B8E;
	s24 =	sld [smem:$0x3FFE];
	[sflag:s23] =	ssyncadd.s32 $0xFFFFFFFF  }
0xa5: {  	s26 =	simm.s32 $execute0_lowered;
	[smem:$0x3FD2] =	sst s25  }
0xa6: {  	s5 =	sshll.u32 s26, $0x1;
	_ =	strace $0x80000049;
	[dreg:$0x1] =	wrdreg $0xFFFFFFFF  }
0xa7: {  	s28 =	simm.s32 $_size_execute0_lowered;
	s3 =	sadd.s32 s3, s5;
	[dreg:$0x0] =	wrdreg $0x0  }
0xa8: {  	s5 =	sshll.u32 s28, $0x1;
	[dreg:$0x2] =	wrdreg s3  }
0xa9: {  	[dreg:$0x3] =	wrdreg s5  }
0xaa: {  	[dreg:$0x4] =	wrdreg $0xC0  }
0xab: {  	_ =	task [dreg:s7], $0x5FFFF  }
0xac: {  	[dreg:$0x1] =	wrdreg $0xFFFFFFFF  }
0xad: {  	[dreg:$0x0] =	wrdreg $0x60  }
0xae: {  	[dreg:$0x2] =	wrdreg s24  }
0xaf: {  	[dreg:$0x3] =	wrdreg s2  }
0xb0: {  	[dreg:$0x4] =	wrdreg $0x9  }
0xb1: {  	_ =	task.clear_ibuf [dreg:s7], $0x5FFFF;
	_ =	strace $0x90000049  }
0xb2: {  	s29 =	simm.s32 $0x9;
	_ =	strace $0x8000004B  }
0xb3: {  	_ =	swait.ge [sflag:s29], $0x1  }
0xb4: {  	[sflag:s29] =	ssyncadd.s32 $0xFFFFFFFF  }
0xb5: {  	_ =	strace $0x9000004B  }
0xb6: {  	_ =	sfence  }
0xb7: {  	s30 =	sld [smem:$0x0];
	_ =	sdelay $0x2  }
0xb8: {  	s31 =	sshll.u32 s1, $0xD;
	s1 =	sshrl.u32 s1, $0x2  }
0xb9: {  	s3 =	sand.u32 $0x4000, s31;
	s1 =	sadd.s32 s1, s30  }
0xba: {  	s0 =	sor.u32 s3, s0;
	s1 =	sshll.u32 s1, $0x11  }
0xbb: {  	s0 =	sor.u32 s1, s0  }
0xbc: {  	s0 =	sadd.s32 $0x8F2B, s0  }
0xbd: {  	[sflag:s0] =	ssyncadd.remote.s32 $0x1  }
0xbe: {  	_ =	sfence.sel $0xFFFF  }
0xbf: {  	[dreg:$0x0] =	wrdreg $0xFFFFFFFF;
	(pc) =	sbr.abs _section_cstart, $3  }
0xc0: {  	[dreg:$0x1] =	wrdreg $0xFFFFFFFF  }
0xc1: {  	_ =	task.clear_ibuf [dreg:s7], $0x2FFFF;
	_ =	strace $0x9FFFFFFF  }
0xc2: {  	(tm) =	ssettm $0x7FFFFFFF  }
0xc3: {  	_ =	shalt  }
tec
execute0_lowered:
.L_overlay_start_1:
0x0: {  	(tag) =	ssettag $0x1  }
0x1: {  	s6 =	stileid.u32  }
0x2: {  	s0 =	srdreg.scid;
	s1 =	rddreg [dreg:$0x0]  }
0x3: {  	s2 =	rddreg [dreg:$0x1];
	s3 =	simm.s32 $0x0;
	s15 =	simm.s32 $0x1600  }
0x4: {  	s17 =	simm.s32 $0xC0;
	s19 =	simm.s32 $0x1E00;
	s20 =	simm.s32 $0x140  }
0x5: {  	s21 =	simm.s32 $0x2E00;
	s23 =	simm.s32 $0x180;
	[smem:$0x7FF] =	sst s3  }
0x6: {  	s24 =	simm.s32 $0x3600;
	_ =	strace $0x8000004A;
	[dreg:$0x4] =	wrdreg s15  }
0x7: {  	s25 =	simm.s32 $0x200;
	s26 =	simm.s32 $0x4600;
	[dreg:$0x5] =	wrdreg s17  }
0x8: {  	s7 =	simm.s32 $0x80;
	s29 =	simm.s32 $0x240;
	[dreg:$0x6] =	wrdreg s19  }
0x9: {  	s8 =	simm.s32 $0x600;
	s30 =	simm.s32 $0x4E00;
	[dreg:$0x7] =	wrdreg s20  }
0xa: {  	s9 =	simm.s32 $0x40;
	s31 =	simm.s32 $0x2C0;
	[dreg:$0x8] =	wrdreg s21  }
0xb: {  	s10 =	simm.s32 $0x5E00;
	s11 =	simm.s32 $0x300;
	[dreg:$0x9] =	wrdreg s23  }
0xc: {  	s12 =	simm.s32 $0x6600;
	s13 =	simm.s32 $0x380;
	[dreg:$0xa] =	wrdreg s24  }
0xd: {  	s14 =	simm.s32 $0x7600;
	s4 =	smul.u32 $0x6000, s6;
	[dreg:$0xb] =	wrdreg s25  }
0xe: {  	s0 =	sand.u32 $0x1, s0;
	s6 =	smul.u32 $0xC0000, s6;
	[dreg:$0xc] =	wrdreg s26  }
0xf: {  	s28 =	simm.s32 $0x1;
	s5 =	smul.u32 $0x3000, s0;
	[dreg:$0xd] =	wrdreg s29  }
0x10: {  	s16 =	ssub.s32 $0x2, s0;
	s0 =	smul.u32 $0x60000, s0;
	[dreg:$0xe] =	wrdreg s30  }
0x11: {  	[dreg:$0xf] =	wrdreg s31;
	s15 =	simm.s32 $0x3C0;
	s17 =	simm.s32 $0x440  }
0x12: {  	s19 =	simm.s32 $0x480;
	s20 =	simm.s32 $0x9600;
	s21 =	simm.s32 $0x500  }
0x13: {  	s23 =	simm.s32 $0x540;
	s24 =	simm.s32 $0xAE00;
	s25 =	simm.s32 $0x5C0  }
0x14: {  	s26 =	simm.s32 $0xBE00;
	s4 =	sadd.s32 s4, s1;
	s1 =	sadd.s32 s6, s1  }
0x15: {  	s18 =	sshrl.u32 s16, $0x1;
	s6 =	simm.s32 $0x3;
	s4 =	sadd.s32 s5, s4  }
0x16: {  	s5 =	ssub.s32 s16, s18;
	s0 =	sadd.s32 s0, s1;
	s4 =	sadd.s32 $0x2000E00, s4  }
0x17: {  	s16 =	simm.s32 $0x7E00;
	s22 =	smax.u32 s5, $0x1;
	[dreg:$0x3] =	wrdreg s4  }
0x18: {  	s18 =	simm.s32 $0x8E00;
	s0 =	sadd.s32 $0x1A00, s0;
	[dreg:$0x10] =	wrdreg s22  }
0x19: {  	[dreg:$0x11] =	wrdreg s0;
	s22 =	simm.s32 $0xA600;
	s4 =	simm.s32 $0x0  }
.LBB2_1:
0x1a: {  	p0 =	por $0x1, $0x1  }
0x1b: {  	[dreg:$0x12] =	wrdreg s4;
	s1 =	simm.s32 @!p0 $0x2  }
0x1c: {  	_ =	swait.ge @!p0 [sflag:s1], $0x6000  }
0x1d: {  	[sflag:s1] =	ssyncset.done @!p0 $0x0  }
0x1e: {  	[sflag:s1] =	ssyncadd.s32 @!p0 $0xFFFFA000  }
0x1f: {  	_ =	swait.ge @!p0 [sflag:s1], $0x6000  }
0x20: {  	s5 =	rddreg [dreg:$0x3];
	[sflag:s1] =	ssyncset.done @!p0 $0x0  }
0x21: {  	[sflag:s1] =	ssyncadd.s32 @!p0 $0xFFFFA000;
	s1 =	sadd.s32 $0x0, s5  }
0x22: {  	[tilespmem:s3], [sflag:$0x3] =	stream.linear.gather [hbm4b:s1+s3], $0x300, $0x38;
	[tilespmem:$0xC600] =	vst v63  }
0x23: {  	_ =	swait.ge [sflag:s6], $0x300  }
0x24: {  	s29 =	rddreg [dreg:$0x5]  }
0x25: {  	s31 =	rddreg [dreg:$0x4]  }
0x26: {  	[sflag:s6] =	ssyncset.done $0x0;
	s30 =	rddreg [dreg:$0x6]  }
0x27: {  	s0 =	rddreg [dreg:$0x8];
	[sflag:s6] =	ssyncadd.s32 $0xFFFFFD00  }
0x28: {  	[tilespmem:s8], [sflag:$0x1] =	stream.indirect.gather [hbm4b:s2+s7], $0x20, s3, s7, $0xb8;
	[tilespmem:$0xC600] =	vst v63  }
0x29: {  	s5 =	rddreg [dreg:$0xa]  }
0x2a: {  	[tilespmem:s31], [sflag:$0x1] =	stream.indirect.gather [hbm4b:s2+s9], $0x20, s7, s9, $0xb8;
	[tilespmem:$0xC600] =	vst v63  }
0x2b: {  	s31 =	rddreg [dreg:$0x7]  }
0x2c: {  	[tilespmem:s30], [sflag:$0x1] =	stream.indirect.gather [hbm4b:s2+s7], $0x20, s29, s7, $0xb8;
	[tilespmem:$0xC600] =	vst v63  }
0x2d: {  	s29 =	rddreg [dreg:$0x9]  }
0x2e: {  	s30 =	rddreg [dreg:$0xc]  }
0x2f: {  	[tilespmem:s0], [sflag:$0x1] =	stream.indirect.gather [hbm4b:s2+s9], $0x20, s31, s9, $0xb8;
	[tilespmem:$0xC600] =	vst v63  }
0x30: {  	s31 =	rddreg [dreg:$0xb]  }
0x31: {  	[tilespmem:s5], [sflag:$0x1] =	stream.indirect.gather [hbm4b:s2+s7], $0x20, s29, s7, $0xb8;
	[tilespmem:$0xC600] =	vst v63  }
0x32: {  	s5 =	rddreg [dreg:$0xe]  }
0x33: {  	[tilespmem:s30], [sflag:$0x1] =	stream.indirect.gather [hbm4b:s2+s9], $0x20, s31, s9, $0xb8;
	[tilespmem:$0xC600] =	vst v63  }
0x34: {  	s29 =	rddreg [dreg:$0xd]  }
0x35: {  	[tilespmem:s5], [sflag:$0x1] =	stream.indirect.gather [hbm4b:s2+s7], $0x20, s29, s7, $0xb8;
	[tilespmem:$0xC600] =	vst v63  }
0x36: {  	s30 =	rddreg [dreg:$0xf]  }
0x37: {  	[tilespmem:s10], [sflag:$0x1] =	stream.indirect.gather [hbm4b:s2+s9], $0x20, s30, s9, $0xb8;
	[tilespmem:$0xC600] =	vst v63  }
0x38: {  	s29 =	sadd.s32 $0x60, s1  }
0x39: {  	[tilespmem:s11], [sflag:$0x3] =	stream.linear.gather [hbm4b:s29+s3], $0x300, $0x38;
	[tilespmem:$0xC600] =	vst v63  }
0x3a: {  	_ =	swait.ge [sflag:s6], $0x300  }
0x3b: {  	[sflag:s6] =	ssyncset.done $0x0  }
0x3c: {  	[sflag:s6] =	ssyncadd.s32 $0xFFFFFD00  }
0x3d: {  	[tilespmem:s12], [sflag:$0x1] =	stream.indirect.gather [hbm4b:s2+s7], $0x20, s11, s7, $0xb8;
	[tilespmem:$0xC600] =	vst v63  }
0x3e: {  	_ = 	snop  }
0x3f: {  	[tilespmem:s14], [sflag:$0x1] =	stream.indirect.gather [hbm4b:s2+s9], $0x20, s13, s9, $0xb8;
	[tilespmem:$0xC600] =	vst v63  }
0x40: {  	_ = 	snop  }
0x41: {  	[tilespmem:s16], [sflag:$0x1] =	stream.indirect.gather [hbm4b:s2+s7], $0x20, s15, s7, $0xb8;
	[tilespmem:$0xC600] =	vst v63  }
0x42: {  	_ = 	snop  }
0x43: {  	[tilespmem:s18], [sflag:$0x1] =	stream.indirect.gather [hbm4b:s2+s9], $0x20, s17, s9, $0xb8;
	[tilespmem:$0xC600] =	vst v63  }
0x44: {  	_ = 	snop  }
0x45: {  	[tilespmem:s20], [sflag:$0x1] =	stream.indirect.gather [hbm4b:s2+s7], $0x20, s19, s7, $0xb8;
	[tilespmem:$0xC600] =	vst v63  }
0x46: {  	_ = 	snop  }
0x47: {  	[tilespmem:s22], [sflag:$0x1] =	stream.indirect.gather [hbm4b:s2+s9], $0x20, s21, s9, $0xb8;
	[tilespmem:$0xC600] =	vst v63  }
0x48: {  	_ = 	snop  }
0x49: {  	[tilespmem:s24], [sflag:$0x1] =	stream.indirect.gather [hbm4b:s2+s7], $0x20, s23, s7, $0xb8;
	[tilespmem:$0xC600] =	vst v63  }
0x4a: {  	_ = 	snop  }
0x4b: {  	[tilespmem:s26], [sflag:$0x1] =	stream.indirect.gather [hbm4b:s2+s9], $0x20, s25, s9, $0xb8;
	[tilespmem:$0xC600] =	vst v63  }
0x4c: {  	_ =	swait.ge [sflag:s28], $0x1000  }
0x4d: {  	[sflag:s28] =	ssyncset.done $0x0  }
0x4e: {  	[sflag:s28] =	ssyncadd.s32 $0xFFFFF000  }
0x4f: {  	_ =	swait.ge [sflag:s28], $0x800  }
0x50: {  	[sflag:s28] =	ssyncset.done $0x0  }
0x51: {  	[sflag:s28] =	ssyncadd.s32 $0xFFFFF800  }
0x52: {  	_ =	swait.ge [sflag:s28], $0x1000  }
0x53: {  	[sflag:s28] =	ssyncset.done $0x0  }
0x54: {  	[sflag:s28] =	ssyncadd.s32 $0xFFFFF000  }
0x55: {  	_ =	swait.ge [sflag:s28], $0x800  }
0x56: {  	[sflag:s28] =	ssyncset.done $0x0  }
0x57: {  	[sflag:s28] =	ssyncadd.s32 $0xFFFFF800  }
0x58: {  	_ =	swait.ge [sflag:s28], $0x1000  }
0x59: {  	[sflag:s28] =	ssyncset.done $0x0  }
0x5a: {  	[sflag:s28] =	ssyncadd.s32 $0xFFFFF000  }
0x5b: {  	_ =	swait.ge [sflag:s28], $0x800  }
0x5c: {  	[sflag:s28] =	ssyncset.done $0x0  }
0x5d: {  	[sflag:s28] =	ssyncadd.s32 $0xFFFFF800  }
0x5e: {  	_ =	swait.ge [sflag:s28], $0x1000  }
0x5f: {  	[sflag:s28] =	ssyncset.done $0x0  }
0x60: {  	[sflag:s28] =	ssyncadd.s32 $0xFFFFF000  }
0x61: {  	_ =	swait.ge [sflag:s28], $0x800  }
0x62: {  	[sflag:s28] =	ssyncset.done $0x0;
	s31 =	rddreg [dreg:$0x11]  }
0x63: {  	s30 =	sadd.s32 $0xFFFFF400, s31;
	[sflag:s28] =	ssyncadd.s32 $0xFFFFF800  }
0x64: {  	[hbm4b:s30+s3] =	stream.linear.scatter [tilespmem:s8], [sflag:$0x2], $0x6000, $0x38;
	[tilespmem:$0xC600] =	vst v63  }
0x65: {  	_ =	swait.ge [sflag:s28], $0x1000  }
0x66: {  	[sflag:s28] =	ssyncset.done $0x0  }
0x67: {  	[sflag:s28] =	ssyncadd.s32 $0xFFFFF000  }
0x68: {  	_ =	swait.ge [sflag:s28], $0x800  }
0x69: {  	[sflag:s28] =	ssyncset.done $0x0  }
0x6a: {  	[sflag:s28] =	ssyncadd.s32 $0xFFFFF800  }
0x6b: {  	_ =	swait.ge [sflag:s28], $0x1000  }
0x6c: {  	[sflag:s28] =	ssyncset.done $0x0  }
0x6d: {  	[sflag:s28] =	ssyncadd.s32 $0xFFFFF000  }
0x6e: {  	_ =	swait.ge [sflag:s28], $0x800  }
0x6f: {  	[sflag:s28] =	ssyncset.done $0x0  }
0x70: {  	[sflag:s28] =	ssyncadd.s32 $0xFFFFF800  }
0x71: {  	_ =	swait.ge [sflag:s28], $0x1000  }
0x72: {  	[sflag:s28] =	ssyncset.done $0x0  }
0x73: {  	[sflag:s28] =	ssyncadd.s32 $0xFFFFF000  }
0x74: {  	_ =	swait.ge [sflag:s28], $0x800  }
0x75: {  	[sflag:s28] =	ssyncset.done $0x0  }
0x76: {  	[sflag:s28] =	ssyncadd.s32 $0xFFFFF800  }
0x77: {  	s1 =	simm.s32 $0xC0;
	s5 =	smov.u32 s31;
	_ =	swait.ge [sflag:s28], $0x1000  }
.LBB2_2:
0x78: {  	[sflag:s28] =	ssyncset.done $0x0  }
0x79: {  	[sflag:s28] =	ssyncadd.s32 $0xFFFFF000  }
0x7a: {  	s0 =	smov.u32 s1;
	_ =	swait.ge [sflag:s28], $0x800  }
0x7b: {  	p1 =	seq.s32 s0, $0x0;
	[sflag:s28] =	ssyncset.done $0x0  }
0x7c: {  	s4 =	simm.s32 @!p1 $0x2;
	[sflag:s28] =	ssyncadd.s32 $0xFFFFF800  }
0x7d: {  	[hbm4b:s31+s3] =	stream.linear.scatter [tilespmem:s12], [sflag:$0x2], $0x6000, $0x38;
	[tilespmem:$0xC600] =	vst v63  }
0x7e: {  	_ =	swait.ge @!p1 [sflag:s4], $0x6000  }
0x7f: {  	[sflag:s4] =	ssyncset.done @!p1 $0x0  }
0x80: {  	[sflag:s4] =	ssyncadd.s32 @!p1 $0xFFFFA000  }
0x81: {  	_ =	swait.ge @!p1 [sflag:s4], $0x6000  }
0x82: {  	[sflag:s4] =	ssyncset.done @!p1 $0x0;
	s29 =	rddreg [dreg:$0x3]  }
0x83: {  	[sflag:s4] =	ssyncadd.s32 @!p1 $0xFFFFA000;
	s0 =	sadd.s32 s0, s29  }
0x84: {  	[tilespmem:s3], [sflag:$0x3] =	stream.linear.gather [hbm4b:s0+s3], $0x300, $0x38;
	[tilespmem:$0xC600] =	vst v63  }
0x85: {  	_ =	swait.ge [sflag:s6], $0x300  }
0x86: {  	s4 =	rddreg [dreg:$0xe]  }
0x87: {  	s29 =	rddreg [dreg:$0xc]  }
0x88: {  	s30 =	rddreg [dreg:$0xa]  }
0x89: {  	s10 =	rddreg [dreg:$0x5];
	[sflag:s6] =	ssyncset.done $0x0  }
0x8a: {  	s13 =	rddreg [dreg:$0x4];
	[sflag:s6] =	ssyncadd.s32 $0xFFFFFD00  }
0x8b: {  	[tilespmem:s8], [sflag:$0x1] =	stream.indirect.gather [hbm4b:s2+s7], $0x20, s3, s7, $0xb8;
	[tilespmem:$0xC600] =	vst v63  }
0x8c: {  	s14 =	rddreg [dreg:$0x6]  }
0x8d: {  	[tilespmem:s13], [sflag:$0x1] =	stream.indirect.gather [hbm4b:s2+s9], $0x20, s7, s9, $0xb8;
	[tilespmem:$0xC600] =	vst v63  }
0x8e: {  	s15 =	rddreg [dreg:$0x8]  }
0x8f: {  	[tilespmem:s14], [sflag:$0x1] =	stream.indirect.gather [hbm4b:s2+s7], $0x20, s10, s7, $0xb8;
	[tilespmem:$0xC600] =	vst v63  }
0x90: {  	s13 =	rddreg [dreg:$0x7]  }
0x91: {  	[tilespmem:s15], [sflag:$0x1] =	stream.indirect.gather [hbm4b:s2+s9], $0x20, s13, s9, $0xb8;
	[tilespmem:$0xC600] =	vst v63  }
0x92: {  	s10 =	rddreg [dreg:$0x9]  }
0x93: {  	[tilespmem:s30], [sflag:$0x1] =	stream.indirect.gather [hbm4b:s2+s7], $0x20, s10, s7, $0xb8;
	[tilespmem:$0xC600] =	vst v63  }
0x94: {  	s13 =	rddreg [dreg:$0xb]  }
0x95: {  	[tilespmem:s29], [sflag:$0x1] =	stream.indirect.gather [hbm4b:s2+s9], $0x20, s13, s9, $0xb8;
	[tilespmem:$0xC600] =	vst v63  }
0x96: {  	s30 =	rddreg [dreg:$0xd]  }
0x97: {  	[tilespmem:s4], [sflag:$0x1] =	stream.indirect.gather [hbm4b:s2+s7], $0x20, s30, s7, $0xb8;
	[tilespmem:$0xC600] =	vst v63  }
0x98: {  	s10 =	simm.s32 $0x5E00;
	s29 =	rddreg [dreg:$0xf]  }
0x99: {  	[tilespmem:s10], [sflag:$0x1] =	stream.indirect.gather [hbm4b:s2+s9], $0x20, s29, s9, $0xb8;
	[tilespmem:$0xC600] =	vst v63  }
0x9a: {  	s0 =	sadd.s32 $0x60, s0  }
0x9b: {  	[tilespmem:s11], [sflag:$0x3] =	stream.linear.gather [hbm4b:s0+s3], $0x300, $0x38;
	[tilespmem:$0xC600] =	vst v63  }
0x9c: {  	_ =	swait.ge [sflag:s6], $0x300  }
0x9d: {  	[sflag:s6] =	ssyncset.done $0x0  }
0x9e: {  	[sflag:s6] =	ssyncadd.s32 $0xFFFFFD00  }
0x9f: {  	[tilespmem:s12], [sflag:$0x1] =	stream.indirect.gather [hbm4b:s2+s7], $0x20, s11, s7, $0xb8;
	[tilespmem:$0xC600] =	vst v63  }
0xa0: {  	s14 =	simm.s32 $0x7600;
	s13 =	simm.s32 $0x380  }
0xa1: {  	[tilespmem:s14], [sflag:$0x1] =	stream.indirect.gather [hbm4b:s2+s9], $0x20, s13, s9, $0xb8;
	[tilespmem:$0xC600] =	vst v63  }
0xa2: {  	s15 =	simm.s32 $0x3C0  }
0xa3: {  	[tilespmem:s16], [sflag:$0x1] =	stream.indirect.gather [hbm4b:s2+s7], $0x20, s15, s7, $0xb8;
	[tilespmem:$0xC600] =	vst v63  }
0xa4: {  	_ = 	snop  }
0xa5: {  	[tilespmem:s18], [sflag:$0x1] =	stream.indirect.gather [hbm4b:s2+s9], $0x20, s17, s9, $0xb8;
	[tilespmem:$0xC600] =	vst v63  }
0xa6: {  	_ = 	snop  }
0xa7: {  	[tilespmem:s20], [sflag:$0x1] =	stream.indirect.gather [hbm4b:s2+s7], $0x20, s19, s7, $0xb8;
	[tilespmem:$0xC600] =	vst v63  }
0xa8: {  	_ = 	snop  }
0xa9: {  	[tilespmem:s22], [sflag:$0x1] =	stream.indirect.gather [hbm4b:s2+s9], $0x20, s21, s9, $0xb8;
	[tilespmem:$0xC600] =	vst v63  }
0xaa: {  	_ = 	snop  }
0xab: {  	[tilespmem:s24], [sflag:$0x1] =	stream.indirect.gather [hbm4b:s2+s7], $0x20, s23, s7, $0xb8;
	[tilespmem:$0xC600] =	vst v63  }
0xac: {  	_ = 	snop  }
0xad: {  	[tilespmem:s26], [sflag:$0x1] =	stream.indirect.gather [hbm4b:s2+s9], $0x20, s25, s9, $0xb8;
	[tilespmem:$0xC600] =	vst v63  }
0xae: {  	_ =	swait.ge [sflag:s28], $0x1000  }
0xaf: {  	[sflag:s28] =	ssyncset.done $0x0  }
0xb0: {  	[sflag:s28] =	ssyncadd.s32 $0xFFFFF000  }
0xb1: {  	_ =	swait.ge [sflag:s28], $0x800  }
0xb2: {  	[sflag:s28] =	ssyncset.done $0x0  }
0xb3: {  	[sflag:s28] =	ssyncadd.s32 $0xFFFFF800  }
0xb4: {  	_ =	swait.ge [sflag:s28], $0x1000  }
0xb5: {  	[sflag:s28] =	ssyncset.done $0x0  }
0xb6: {  	[sflag:s28] =	ssyncadd.s32 $0xFFFFF000  }
0xb7: {  	_ =	swait.ge [sflag:s28], $0x800  }
0xb8: {  	[sflag:s28] =	ssyncset.done $0x0  }
0xb9: {  	[sflag:s28] =	ssyncadd.s32 $0xFFFFF800  }
0xba: {  	_ =	swait.ge [sflag:s28], $0x1000  }
0xbb: {  	[sflag:s28] =	ssyncset.done $0x0  }
0xbc: {  	[sflag:s28] =	ssyncadd.s32 $0xFFFFF000  }
0xbd: {  	_ =	swait.ge [sflag:s28], $0x800  }
0xbe: {  	[sflag:s28] =	ssyncset.done $0x0  }
0xbf: {  	[sflag:s28] =	ssyncadd.s32 $0xFFFFF800  }
0xc0: {  	_ =	swait.ge [sflag:s28], $0x1000  }
0xc1: {  	[sflag:s28] =	ssyncset.done $0x0  }
0xc2: {  	[sflag:s28] =	ssyncadd.s32 $0xFFFFF000  }
0xc3: {  	_ =	swait.ge [sflag:s28], $0x800  }
0xc4: {  	s5 =	sadd.s32 $0x1800, s5;
	[sflag:s28] =	ssyncset.done $0x0  }
0xc5: {  	s30 =	sadd.s32 $0xFFFFF400, s5;
	[sflag:s28] =	ssyncadd.s32 $0xFFFFF800  }
0xc6: {  	[hbm4b:s30+s3] =	stream.linear.scatter [tilespmem:s8], [sflag:$0x2], $0x6000, $0x38;
	[tilespmem:$0xC600] =	vst v63  }
0xc7: {  	_ =	swait.ge [sflag:s28], $0x1000  }
0xc8: {  	[sflag:s28] =	ssyncset.done $0x0  }
0xc9: {  	[sflag:s28] =	ssyncadd.s32 $0xFFFFF000  }
0xca: {  	_ =	swait.ge [sflag:s28], $0x800  }
0xcb: {  	[sflag:s28] =	ssyncset.done $0x0  }
0xcc: {  	[sflag:s28] =	ssyncadd.s32 $0xFFFFF800  }
0xcd: {  	_ =	swait.ge [sflag:s28], $0x1000  }
0xce: {  	[sflag:s28] =	ssyncset.done $0x0  }
0xcf: {  	[sflag:s28] =	ssyncadd.s32 $0xFFFFF000  }
0xd0: {  	_ =	swait.ge [sflag:s28], $0x800  }
0xd1: {  	[sflag:s28] =	ssyncset.done $0x0  }
0xd2: {  	[sflag:s28] =	ssyncadd.s32 $0xFFFFF800  }
0xd3: {  	s1 =	sadd.s32 $0xC0, s1;
	_ =	swait.ge [sflag:s28], $0x1000  }
0xd4: {  	p0 =	sne.s32 s1, $0x3000;
	[sflag:s28] =	ssyncset.done $0x0  }
.Ltmp0:
0xd5: {  	[sflag:s28] =	ssyncadd.s32 $0xFFFFF000;
	(pc) =	sbr.rel @p0 .LBB2_2-.Ltmp0, $4  }
0xd6: {  	_ =	swait.ge [sflag:s28], $0x800  }
0xd7: {  	[sflag:s28] =	ssyncset.done $0x0  }
0xd8: {  	[sflag:s28] =	ssyncadd.s32 $0xFFFFF800  }
0xd9: {  	s31 =	smov.u32 s5;
	_ =	swait.ge [sflag:s28], $0x1000  }
0xda: {  	[sflag:s28] =	ssyncset.done $0x0  }
0xdb: {  	[sflag:s28] =	ssyncadd.s32 $0xFFFFF000  }
0xdc: {  	_ =	swait.ge [sflag:s28], $0x800  }
0xdd: {  	[sflag:s28] =	ssyncset.done $0x0  }
0xde: {  	s1 =	simm.s32 $0x2;
	[sflag:s28] =	ssyncadd.s32 $0xFFFFF800  }
0xdf: {  	[hbm4b:s31+s3] =	stream.linear.scatter [tilespmem:s12], [sflag:$0x2], $0x6000, $0x38;
	[tilespmem:$0xC600] =	vst v63  }
0xe0: {  	_ =	swait.ge [sflag:s1], $0x6000  }
0xe1: {  	[sflag:s1] =	ssyncset.done $0x0  }
0xe2: {  	[sflag:s1] =	ssyncadd.s32 $0xFFFFA000  }
0xe3: {  	_ =	swait.ge [sflag:s1], $0x6000  }
0xe4: {  	s4 =	rddreg [dreg:$0x12]  }
0xe5: {  	s0 =	rddreg [dreg:$0x10];
	s4 =	sadd.s32 $0x1, s4  }
0xe6: {  	p0 =	sne.s32 s4, s0  }
.Ltmp1:
0xe7: {  	_ = 	snop;
	(pc) =	sbr.rel @p0 .LBB2_1-.Ltmp1, $3  }
0xe8: {  	_ =	sdelay $0x1  }
0xe9: {  	[sflag:s1] =	ssyncset.done $0x0  }
0xea: {  	[sflag:s1] =	ssyncadd.s32 $0xFFFFA000  }
0xeb: {  	_ =	sfence.sel $0x180000  }
0xec: {  	[bflag:$0x0] =	sbarrier.arrive $0xFFFF  }
0xed: {  	_ =	strace $0x9000004A  }
0xee: {  	s0 =	stileid.u32;
	[bflag:$0x2] =	sbarrier.arrive $0xFFFF  }
0xef: {  	p0 =	sne.s32 s0, $0x0;
	s0 =	rddreg [dreg:$0x2]  }
0xf0: {  	s0 =	sadd.s32 @!p0 $0x100000, s0  }
0xf1: {  	[sflag:s0] =	ssyncadd.tile.s32 @!p0 $0x1;
	_ =	shalt  }
.Lfunc_end2:
_tile_overlayer_lowered:
.L_overlay_start_2:
0xf2: {  	(tag) =	ssettag $0x2  }
0xf3: {  	s0 =	rddreg [dreg:$0x0];
	s2 =	stileid.u32  }
0xf4: {  	s1 =	rddreg [dreg:$0x1];
	p0 =	sne.s32 s2, $0x0  }
0xf5: {  	s3 =	rddreg [dreg:$0x2];
	[bflag:$0x3] =	sbarrier.arrive $0xFFFF;
	s2 =	simm.s32 @!p0 $0x1C03  }
0xf6: {  	[timem:s3], [sflag:s2] =	dma.local @!p0 [hbm:s0], s1  }
0xf7: {  	s0 =	simm.s32 @!p0 $0x3  }
0xf8: {  	_ =	swait.ge @!p0 [sflag:s0], s1  }
0xf9: {  	s1 =	ssub.s32 @!p0 $0x0, s1;
	[sflag:s0] =	ssyncset.done @!p0 $0x0  }
0xfa: {  	[sflag:s0] =	ssyncadd.s32 @!p0 s1  }
0xfb: {  	[bflag:$0x3] =	sbarrier.arrive $0xFFFF  }
0xfc: {  	_ =	shalt  }

// kernel: sparse-core-data-format-call.1.cloned.1.call-start
scs
called_computation.1_lowered:
.L_overlay_start_0:
0x0: {  	s2 =	sld [smem:$0x3FD9]  }
0x1: {  	s3 =	sld [smem:$0x3FFE];
	_ =	sdelay $0x1  }
0x2: {  	s1 =	srdreg.scid  }
0x3: {  	s0 =	sand.u32 $0x1, s1  }
0x4: {  	s18 =	sshll.u32 s0, $0xA;
	s2 =	sadd.s32 s3, s2  }
0x5: {  	s2 =	sadd.s32 s2, s18  }
0x6: {  	[smem:$0x3FC6] =	sst s2  }
0x7: {  	_ = 	snop  }
0x8: {  	s2 =	sld [smem:$0x3FD0];
	(tm) =	ssettm $0x1  }
0x9: {  	s19 =	sld [smem:$0x3FFB];
	_ =	sdelay $0x3  }
0xa: {  	_ =	strace s19  }
0xb: {  	s3 =	sld [smem:$0x3FFC];
	_ =	sdelay $0x3  }
0xc: {  	_ =	strace s3  }
0xd: {  	s3 =	sld [smem:$0x3FFD];
	_ =	sdelay $0x3  }
0xe: {  	_ =	strace s3  }
0xf: {  	_ =	strace $0x8FFFFFFF  }
0x10: {  	s20 =	sld [smem:$0x3FDB];
	_ =	sdelay $0x1  }
0x11: {  	s4 =	simm.s32 $_scs_section_size  }
0x12: {  	s5 =	simm.s32 $_size__tile_overlayer_lowered;
	s6 =	simm.s32 $_tile_overlayer_lowered  }
0x13: {  	s23 =	simm.s32 $0x1BFF;
	s22 =	sshll.u32 s6, $0x1;
	s3 =	sadd.s32 s4, s20  }
0x14: {  	s7 =	simm.s32 $0x0;
	s21 =	sshll.u32 s5, $0x1;
	s5 =	sadd.s32 s22, s3  }
0x15: {  	[timem:s7], [sflag:s23] =	dma.local [hbm:s5], s21  }
0x16: {  	_ =	swait.ge [sflag:s23], s21  }
0x17: {  	s4 =	ssub.s32 $0x0, s21;
	[sflag:s23] =	ssyncset.done $0x0  }
0x18: {  	[sflag:s23] =	ssyncadd.s32 s4;
	_ =	sdelay $0x1  }
0x19: {  	s24 =	simm.s32 $0x1B8B  }
0x1a: {  	_ =	swait.ge [sflag:s24], $0x1  }
0x1b: {  	[sflag:s24] =	ssyncset.done $0x0  }
0x1c: {  	s26 =	simm.s32 $0x1B8E;
	s25 =	sld [smem:$0x3FFE];
	[sflag:s24] =	ssyncadd.s32 $0xFFFFFFFF  }
0x1d: {  	s27 =	simm.s32 $execute0_lowered;
	[smem:$0x3FD2] =	sst s26  }
0x1e: {  	s5 =	sshll.u32 s27, $0x1;
	_ =	strace $0x80000046;
	[dreg:$0x1] =	wrdreg $0xFFFFFFFF  }
0x1f: {  	s28 =	simm.s32 $_size_execute0_lowered;
	s3 =	sadd.s32 s3, s5;
	[dreg:$0x0] =	wrdreg $0x0  }
0x20: {  	s5 =	sshll.u32 s28, $0x1;
	[dreg:$0x2] =	wrdreg s3  }
0x21: {  	[dreg:$0x3] =	wrdreg s5  }
0x22: {  	[dreg:$0x4] =	wrdreg $0xC0  }
0x23: {  	_ =	task [dreg:s7], $0x5FFFF  }
0x24: {  	[dreg:$0x1] =	wrdreg $0xFFFFFFFF  }
0x25: {  	[dreg:$0x0] =	wrdreg $0x60  }
0x26: {  	[dreg:$0x2] =	wrdreg s2  }
0x27: {  	[dreg:$0x3] =	wrdreg s25  }
0x28: {  	[dreg:$0x4] =	wrdreg $0x9  }
0x29: {  	_ =	task.clear_ibuf [dreg:s7], $0x5FFFF;
	_ =	strace $0x90000046  }
0x2a: {  	s29 =	simm.s32 $0x9;
	_ =	strace $0x80000048  }
0x2b: {  	_ =	swait.ge [sflag:s29], $0x1  }
0x2c: {  	[sflag:s29] =	ssyncadd.s32 $0xFFFFFFFF  }
0x2d: {  	_ =	strace $0x90000048  }
0x2e: {  	_ =	sfence  }
0x2f: {  	s30 =	sld [smem:$0x0];
	_ =	sdelay $0x2  }
0x30: {  	s31 =	sshll.u32 s1, $0xD;
	s1 =	sshrl.u32 s1, $0x2  }
0x31: {  	s3 =	sand.u32 $0x4000, s31;
	s1 =	sadd.s32 s1, s30  }
0x32: {  	s0 =	sor.u32 s3, s0;
	s1 =	sshll.u32 s1, $0x11  }
0x33: {  	s0 =	sor.u32 s1, s0  }
0x34: {  	s0 =	sadd.s32 $0x8F2B, s0  }
0x35: {  	[sflag:s0] =	ssyncadd.remote.s32 $0x1  }
0x36: {  	_ =	sfence.sel $0xFFFF  }
0x37: {  	[dreg:$0x0] =	wrdreg $0xFFFFFFFF;
	(pc) =	sbr.abs _section_cstart, $3  }
0x38: {  	[dreg:$0x1] =	wrdreg $0xFFFFFFFF  }
0x39: {  	_ =	task.clear_ibuf [dreg:s7], $0x2FFFF;
	_ =	strace $0x9FFFFFFF  }
0x3a: {  	(tm) =	ssettm $0x7FFFFFFF  }
0x3b: {  	_ =	shalt  }
tec
execute0_lowered:
.L_overlay_start_1:
0x0: {  	(tag) =	ssettag $0x1  }
0x1: {  	s0 =	srdreg.scid;
	s2 =	rddreg [dreg:$0x0]  }
0x2: {  	s6 =	rddreg [dreg:$0x1];
	s1 =	sshll.u32 s0, $0x4  }
0x3: {  	s7 =	simm.s32 $0x1;
	s0 =	stileid.u32;
	s1 =	sand.u32 $0x10, s1  }
0x4: {  	s8 =	simm.s32 $0x2;
	s13 =	simm.s32 $0x0;
	s1 =	sor.u32 s0, s1  }
0x5: {  	s12 =	simm.s32 $0x0;
	s10 =	simm.s32 $0x0;
	s3 =	sshll.u32 s1, $0x9  }
0x6: {  	s11 =	simm.s32 $0x0;
	s6 =	sadd.s32 $0xE00, s6;
	s5 =	ssub.s32 $0x200000, s3  }
.Ltmp0:
0x7: {  	s1 =	rddreg [dreg:$0x2];
	s4 =	sand.u32 $0x3E00, s5;
	(pc) =	sbr.rel .LBB1_1-.Ltmp0, $4  }
0x8: {  	_ =	strace $0x80000047;
	s9 =	smov.u32 s3;
	p0 =	sne.s32 s4, $0x0  }
0x9: {  	s5 =	sshrl.u32 s5, $0xE;
	s4 =	simm.s32 $0x1;
	s7 =	simm.s32 @!p0 $0x0  }
0xa: {  	[sflag:s4] =	ssyncpa.u1 $0x0;
	p0 =	por $0x0, $0x0;
	s5 =	sadd.s32 s7, s5  }
0xb: {  	[sflag:s8] =	ssyncpa.u1 $0x0;
	s8 =	simm.s32 $0x80;
	s7 =	sadd.s32 $0x1, s5  }
.LBB1_4:
0xc: {  	_ = 	snop  }
0xd: {  	[tilespmem:s18+$0x2D60 ss:$0x21] =	vst.msk $0xffff, v7  }
0xe: {  	[tilespmem:s18+$0x2F70 ss:$0x21] =	vst.msk $0xffff, v6  }
0xf: {  	[tilespmem:s18+$0x3390 ss:$0x21] =	vst.msk $0xffff, v3  }
0x10: {  	s21 =	sor.u32 s24, s23;
	v31 =	vld.idx.msk [tilespmem:v0+s16+$0xC70 ss:$0x1], $0xffff;
	[tilespmem:s18+$0x35A0 ss:$0x21] =	vst.msk $0xffff, v1  }
0x11: {  	[tilespmem:s18+$0x37B0 ss:$0x21] =	vst.msk $0xffff, v2;
	v43 =	vld.idx.msk [tilespmem:v0+s21+$0x410 ss:$0x1], $0xffff  }
0x12: {  	[tilespmem:s18+$0x39C0 ss:$0x21] =	vst.msk $0xffff, v4;
	v44 =	vld.idx.msk [tilespmem:v0+s21+$0x420 ss:$0x1], $0xffff  }
0x13: {  	[tilespmem:s18+$0x3BD0 ss:$0x21] =	vst.msk $0xffff, v5;
	s22 =	sand.u32 $0x3200, s21;
	v45 =	vld.idx.msk [tilespmem:v0+s21+$0x430 ss:$0x1], $0xffff  }
0x14: {  	s20 =	sand.u32 $0x180, s20;
	s27 =	sshra.s32 s19, $0x2;
	[tilespmem:s18+$0x3DE0 ss:$0x21] =	vst.msk $0xffff, v8;
	v46 =	vld.idx.msk [tilespmem:v0+s21+$0x440 ss:$0x1], $0xffff;
	s15 =	sadd.s32 s22, s15  }
0x15: {  	v47 =	vld.idx.msk [tilespmem:v0+s21+$0x450 ss:$0x1], $0xffff;
	s26 =	sadd.s32 s20, s15;
	s15 =	sadd.s32 s27, s17;
	[tilespmem:s18+$0x3FF0 ss:$0x21] =	vst.msk $0xffff, v31  }
0x16: {  	v48 =	vld.idx.msk [tilespmem:v0+s21+$0x460 ss:$0x1], $0xffff;
	[tilespmem:s15+$0x1290 ss:$0x21] =	vst.msk $0xffff, v43  }
0x17: {  	v49 =	vld.idx.msk [tilespmem:v0+s21+$0x470 ss:$0x1], $0xffff;
	[tilespmem:s15+$0x14A0 ss:$0x21] =	vst.msk $0xffff, v44  }
0x18: {  	v50 =	vld.idx.msk [tilespmem:v0+s21+$0x810 ss:$0x1], $0xffff;
	[tilespmem:s15+$0x16B0 ss:$0x21] =	vst.msk $0xffff, v45  }
0x19: {  	v51 =	vld.idx.msk [tilespmem:v0+s21+$0x820 ss:$0x1], $0xffff;
	[tilespmem:s15+$0x18C0 ss:$0x21] =	vst.msk $0xffff, v46  }
0x1a: {  	v52 =	vld.idx.msk [tilespmem:v0+s21+$0x830 ss:$0x1], $0xffff;
	[tilespmem:s15+$0x1AD0 ss:$0x21] =	vst.msk $0xffff, v47  }
0x1b: {  	v53 =	vld.idx.msk [tilespmem:v0+s21+$0x840 ss:$0x1], $0xffff;
	[tilespmem:s15+$0x1CE0 ss:$0x21] =	vst.msk $0xffff, v48  }
0x1c: {  	v54 =	vld.idx.msk [tilespmem:v0+s21+$0x850 ss:$0x1], $0xffff;
	[tilespmem:s15+$0x1EF0 ss:$0x21] =	vst.msk $0xffff, v49  }
0x1d: {  	v55 =	vld.idx.msk [tilespmem:v0+s21+$0x860 ss:$0x1], $0xffff;
	[tilespmem:s15+$0x2310 ss:$0x21] =	vst.msk $0xffff, v50  }
0x1e: {  	v56 =	vld.idx.msk [tilespmem:v0+s21+$0x870 ss:$0x1], $0xffff;
	[tilespmem:s15+$0x2520 ss:$0x21] =	vst.msk $0xffff, v51  }
0x1f: {  	v57 =	vld.idx.msk [tilespmem:v0+s21+$0xC10 ss:$0x1], $0xffff;
	[tilespmem:s15+$0x2730 ss:$0x21] =	vst.msk $0xffff, v52  }
0x20: {  	v58 =	vld.idx.msk [tilespmem:v0+s21+$0xC20 ss:$0x1], $0xffff;
	[tilespmem:s15+$0x2940 ss:$0x21] =	vst.msk $0xffff, v53  }
0x21: {  	v59 =	vld.idx.msk [tilespmem:v0+s21+$0xC30 ss:$0x1], $0xffff;
	[tilespmem:s15+$0x2B50 ss:$0x21] =	vst.msk $0xffff, v54  }
0x22: {  	v60 =	vld.idx.msk [tilespmem:v0+s21+$0xC40 ss:$0x1], $0xffff;
	[tilespmem:s15+$0x2D60 ss:$0x21] =	vst.msk $0xffff, v55  }
0x23: {  	v61 =	vld.idx.msk [tilespmem:v0+s21+$0xC50 ss:$0x1], $0xffff;
	[tilespmem:s15+$0x2F70 ss:$0x21] =	vst.msk $0xffff, v56  }
0x24: {  	v62 =	vld.idx.msk [tilespmem:v0+s21+$0xC60 ss:$0x1], $0xffff;
	[tilespmem:s15+$0x3390 ss:$0x21] =	vst.msk $0xffff, v57  }
0x25: {  	v63 =	vld.idx.msk [tilespmem:v0+s21+$0xC70 ss:$0x1], $0xffff;
	[tilespmem:s15+$0x35A0 ss:$0x21] =	vst.msk $0xffff, v58  }
0x26: {  	v32 =	vld [tilespmem:s26+$0xC00];
	[tilespmem:s15+$0x37B0 ss:$0x21] =	vst.msk $0xffff, v59  }
0x27: {  	v33 =	vld [tilespmem:s26+$0x0];
	[tilespmem:s15+$0x39C0 ss:$0x21] =	vst.msk $0xffff, v60  }
0x28: {  	v34 =	vld [tilespmem:s26+$0x10];
	[tilespmem:s15+$0x3BD0 ss:$0x21] =	vst.msk $0xffff, v61  }
0x29: {  	v35 =	vld [tilespmem:s26+$0x20];
	[tilespmem:s15+$0x3DE0 ss:$0x21] =	vst.msk $0xffff, v62  }
0x2a: {  	v36 =	vld [tilespmem:s26+$0x30];
	[tilespmem:s15+$0x3FF0 ss:$0x21] =	vst.msk $0xffff, v63  }
0x2b: {  	v37 =	vld [tilespmem:s26+$0x40];
	[tilespmem:s15+$0x3180 ss:$0x21] =	vst.msk $0xffff, v32  }
0x2c: {  	v38 =	vld [tilespmem:s26+$0x50];
	[tilespmem:s15+$0x0 ss:$0x21] =	vst.msk $0xffff, v33  }
0x2d: {  	v39 =	vld [tilespmem:s26+$0x60];
	[tilespmem:s15+$0x210 ss:$0x21] =	vst.msk $0xffff, v34  }
0x2e: {  	v40 =	vld [tilespmem:s26+$0x70];
	[tilespmem:s15+$0x420 ss:$0x21] =	vst.msk $0xffff, v35  }
0x2f: {  	s13 =	sshll.u32 s13, $0x7;
	s28 =	sshll.u32 s12, $0x3;
	v41 =	vld [tilespmem:s26+$0x400];
	[tilespmem:s15+$0x630 ss:$0x21] =	vst.msk $0xffff, v36  }
0x30: {  	s29 =	sand.u32 $0xFFFFC00, s13;
	s16 =	sand.u32 $0xFFFFC00, s28;
	v42 =	vld [tilespmem:s26+$0x800];
	[tilespmem:s15+$0x840 ss:$0x21] =	vst.msk $0xffff, v37  }
0x31: {  	s13 =	sand.u32 $0x380, s13;
	s16 =	sadd.s32 s16, s29;
	[tilespmem:s15+$0xA50 ss:$0x21] =	vst.msk $0xffff, v38  }
0x32: {  	s30 =	sshrl.u32 s12, $0x3;
	s13 =	sor.u32 s13, s16;
	[tilespmem:s15+$0xC60 ss:$0x21] =	vst.msk $0xffff, v39  }
0x33: {  	s31 =	sand.u32 $0x7, s12;
	s16 =	sand.u32 $0xF, s30;
	s13 =	sshrl.u32 s13, $0x3;
	[tilespmem:s15+$0xE70 ss:$0x21] =	vst.msk $0xffff, v40  }
0x34: {  	s12 =	sshll.u32 s31, $0x12;
	s16 =	sadd.s32 s6, s16;
	s13 =	sand.u32 $0x1FFFFF0, s13;
	[tilespmem:s15+$0x1080 ss:$0x21] =	vst.msk $0xffff, v41  }
0x35: {  	s12 =	sor.u32 $0x20, s12;
	s13 =	sadd.s32 s13, s16;
	[tilespmem:s15+$0x2100 ss:$0x21] =	vst.msk $0xffff, v42  }
0x36: {  	[hbm4b:s13+s12] =	stream.strided.scatter [tilespmem:s14], [sflag:$0x2], $0x4000, s8, s12, $0x10;
	[tilespmem:$0x10400] =	vst v63  }
.LBB1_5:
0x37: {  	s14 =	sadd.s32 $0x4000, s9  }
0x38: {  	s12 =	sadd.s32 $0x20, s10;
	s16 =	smov.u32 s10;
	p2 =	sgt.s32 s14, $0x1FFFFF  }
0x39: {  	s16 =	smov.u32 @p2 s12  }
0x3a: {  	s14 =	smov.u32 @p2 s3;
	p2 =	sgt.s32 s16, $0x1F  }
0x3b: {  	s16 =	simm.s32 @p2 $0x0;
	p2 =	sne.s32 s11, s7  }
.Ltmp1:
0x3c: {  	p1 =	slt.u32 s11, $0x2;
	(pc) =	sbr.rel @!p2 .LBB1_6-.Ltmp1, $4  }
0x3d: {  	s15 =	simm.s32 @!p1 $0x2  }
0x3e: {  	s13 =	smov.u32 s9;
	p0 =	por !p0, !p0;
	_ =	swait.ge @!p1 [sflag:s15], $0x4000  }
0x3f: {  	s12 =	smov.u32 s10;
	[sflag:s15] =	ssyncset.done @!p1 $0x0;
	s9 =	smov.u32 s14  }
0x40: {  	s11 =	sadd.s32 $0x1, s11;
	[sflag:s15] =	ssyncadd.s32 @!p1 $0xFFFFC000;
	s10 =	smov.u32 s16  }
.LBB1_1:
0x41: {  	p1 =	sge.u32 s11, s5;
	s31 =	sadd.s32 $0xFFFFFFFF, s11  }
0x42: {  	s14 =	sand.u32 @!p1 $0x78, s9;
	s15 =	sshll.u32 @!p1 s10, $0x15;
	s16 =	sshll.u32 @!p1 s10, $0x7  }
0x43: {  	s17 =	sshll.u32 @!p1 s9, $0x3;
	s15 =	sand.u32 @!p1 $0x3000000, s15;
	s16 =	sand.u32 @!p1 $0x380, s16  }
0x44: {  	s15 =	sadd.s32 @!p1 s15, s17;
	s17 =	sand.u32 @!p1 $0x1FFC00, s17;
	s14 =	sor.u32 @!p1 s16, s14  }
0x45: {  	s16 =	sxor.u32 @!p1 $0xFFFFFFFF, s11;
	s15 =	sand.u32 @!p1 $0x3E00000, s15;
	s14 =	sor.u32 @!p1 s17, s14  }
0x46: {  	s16 =	sshll.u32 @!p1 s16, $0xE;
	s14 =	sor.u32 @!p1 s15, s14;
	s15 =	sand.u32 @!p1 $0x7, s9  }
0x47: {  	s17 =	simm.s32 @!p1 $0x1000000;
	s14 =	sshrl.u32 @!p1 s14, $0x3;
	s15 =	sshll.u32 @!p1 s15, $0x12  }
0x48: {  	s16 =	sand.u32 @!p1 $0x4000, s16;
	s14 =	sadd.s32 @!p1 s2, s14;
	s15 =	sor.u32 @!p1 $0x1000, s15  }
0x49: {  	[tilespmem:s16], [sflag:$0x1] =	stream.strided.gather @!p1 [hbm4b:s14+s15], $0x4000, s17, s15, $0x38;
	[tilespmem:$0x10400] =	vst v63  }
0x4a: {  	p1 =	sge.u32 s31, s5  }
.Ltmp2:
0x4b: {  	_ = 	snop;
	(pc) =	sbr.rel @p1 .LBB1_5-.Ltmp2, $1  }
0x4c: {  	_ =	sdelay $0x3  }
0x4d: {  	s17 =	simm.s32 $0x0  }
0x4e: {  	s16 =	sand.u32 $0x3000, s17;
	s18 =	sand.u32 $0x380, s17  }
0x4f: {  	s14 =	sand.u32 $0x1, s11;
	s16 =	sor.u32 s18, s16  }
0x50: {  	_ =	swait.ge [sflag:s4], $0x4000;
	s15 =	sshll.u32 s14, $0xE;
	s18 =	sand.u32 $0x3200, s16  }
0x51: {  	[sflag:s4] =	ssyncset.done $0x0;
	s17 =	sand.u32 $0x180, s17;
	s18 =	sadd.s32 s18, s15  }
0x52: {  	[sflag:s4] =	ssyncadd.s32 $0xFFFFC000;
	s20 =	sadd.s32 s17, s18  }
0x53: {  	v4 =	vld [tilespmem:s20+$0xC00]  }
0x54: {  	s19 =	simm.s32 $0x1;
	v0 =	vmov s15;
	v5 =	vld [tilespmem:s20+$0x0]  }
0x55: {  	s19 =	simm.s32 @!p0 $0x0;
	v6 =	vld [tilespmem:s20+$0x10]  }
0x56: {  	s31 =	smul.u32 $0x10800, s19;
	v7 =	vld [tilespmem:s20+$0x20]  }
0x57: {  	v8 =	vld [tilespmem:s20+$0x30]  }
0x58: {  	s17 =	sshrl.u32 s31, $0x2;
	v9 =	vld [tilespmem:s20+$0x40]  }
0x59: {  	s17 =	sor.u32 $0x8000, s17;
	v1 =	vld.idx.msk [tilespmem:v0+s16+$0x410 ss:$0x1], $0xffff  }
0x5a: {  	v2 =	vld.idx.msk [tilespmem:v0+s16+$0x420 ss:$0x1], $0xffff;
	s18 =	sadd.s32 $0x0, s17  }
0x5b: {  	v3 =	vld.idx.msk [tilespmem:v0+s16+$0x430 ss:$0x1], $0xffff;
	[tilespmem:s18+$0x3180 ss:$0x21] =	vst.msk $0xffff, v4  }
0x5c: {  	v10 =	vld.idx.msk [tilespmem:v0+s16+$0x820 ss:$0x1], $0xffff;
	[tilespmem:s18+$0x0 ss:$0x21] =	vst.msk $0xffff, v5  }
0x5d: {  	v11 =	vld.idx.msk [tilespmem:v0+s16+$0x830 ss:$0x1], $0xffff;
	[tilespmem:s18+$0x210 ss:$0x21] =	vst.msk $0xffff, v6  }
0x5e: {  	v12 =	vld.idx.msk [tilespmem:v0+s16+$0x840 ss:$0x1], $0xffff;
	[tilespmem:s18+$0x420 ss:$0x21] =	vst.msk $0xffff, v7  }
0x5f: {  	v13 =	vld.idx.msk [tilespmem:v0+s16+$0x850 ss:$0x1], $0xffff;
	[tilespmem:s18+$0x630 ss:$0x21] =	vst.msk $0xffff, v8  }
0x60: {  	v4 =	vld [tilespmem:s20+$0x50];
	[tilespmem:s18+$0x840 ss:$0x21] =	vst.msk $0xffff, v9  }
0x61: {  	v5 =	vld [tilespmem:s20+$0x60];
	[tilespmem:s18+$0x1290 ss:$0x21] =	vst.msk $0xffff, v1  }
0x62: {  	v6 =	vld [tilespmem:s20+$0x70];
	[tilespmem:s18+$0x14A0 ss:$0x21] =	vst.msk $0xffff, v2  }
0x63: {  	v7 =	vld [tilespmem:s20+$0x400];
	[tilespmem:s18+$0x16B0 ss:$0x21] =	vst.msk $0xffff, v3  }
0x64: {  	v8 =	vld [tilespmem:s20+$0x800];
	[tilespmem:s18+$0x2520 ss:$0x21] =	vst.msk $0xffff, v10  }
0x65: {  	v9 =	vld.idx.msk [tilespmem:v0+s16+$0x470 ss:$0x1], $0xffff;
	[tilespmem:s18+$0x2730 ss:$0x21] =	vst.msk $0xffff, v11  }
0x66: {  	v3 =	vld.idx.msk [tilespmem:v0+s16+$0xC10 ss:$0x1], $0xffff;
	[tilespmem:s18+$0x2940 ss:$0x21] =	vst.msk $0xffff, v12  }
0x67: {  	v1 =	vld.idx.msk [tilespmem:v0+s16+$0xC20 ss:$0x1], $0xffff;
	[tilespmem:s18+$0x2B50 ss:$0x21] =	vst.msk $0xffff, v13  }
0x68: {  	v2 =	vld.idx.msk [tilespmem:v0+s16+$0xC30 ss:$0x1], $0xffff;
	[tilespmem:s18+$0xA50 ss:$0x21] =	vst.msk $0xffff, v4  }
0x69: {  	[tilespmem:s18+$0xE70 ss:$0x21] =	vst.msk $0xffff, v6;
	v6 =	vld.idx.msk [tilespmem:v0+s16+$0x460 ss:$0x1], $0xffff  }
0x6a: {  	v4 =	vld.idx.msk [tilespmem:v0+s16+$0x440 ss:$0x1], $0xffff;
	[tilespmem:s18+$0xC60 ss:$0x21] =	vst.msk $0xffff, v5  }
0x6b: {  	v5 =	vld.idx.msk [tilespmem:v0+s16+$0x450 ss:$0x1], $0xffff;
	[tilespmem:s18+$0x1080 ss:$0x21] =	vst.msk $0xffff, v7  }
0x6c: {  	[tilespmem:s18+$0x2100 ss:$0x21] =	vst.msk $0xffff, v8;
	v8 =	vld.idx.msk [tilespmem:v0+s16+$0x810 ss:$0x1], $0xffff  }
0x6d: {  	v7 =	vld.idx.msk [tilespmem:v0+s16+$0x860 ss:$0x1], $0xffff;
	[tilespmem:s18+$0x1EF0 ss:$0x21] =	vst.msk $0xffff, v9  }
0x6e: {  	s14 =	smul.u32 $0x10800, s14;
	[tilespmem:s18+$0x1CE0 ss:$0x21] =	vst.msk $0xffff, v6;
	v6 =	vld.idx.msk [tilespmem:v0+s16+$0x870 ss:$0x1], $0xffff  }
0x6f: {  	s21 =	simm.s32 $0x200;
	s22 =	simm.s32 $0x8;
	[tilespmem:s18+$0x18C0 ss:$0x21] =	vst.msk $0xffff, v4;
	v4 =	vld.idx.msk [tilespmem:v0+s16+$0xC40 ss:$0x1], $0xffff  }
0x70: {  	s23 =	sand.u32 $0x3000, s21;
	s14 =	sshrl.u32 s14, $0x2;
	s20 =	simm.s32 $0x80;
	[tilespmem:s18+$0x1AD0 ss:$0x21] =	vst.msk $0xffff, v5;
	v5 =	vld.idx.msk [tilespmem:v0+s16+$0xC50 ss:$0x1], $0xffff  }
0x71: {  	s19 =	simm.s32 $0x4;
	s14 =	sor.u32 $0x8000, s14;
	s24 =	sand.u32 $0x380, s20;
	[tilespmem:s18+$0x2310 ss:$0x21] =	vst.msk $0xffff, v8;
	v8 =	vld.idx.msk [tilespmem:v0+s16+$0xC60 ss:$0x1], $0xffff  }
.LBB1_3:
0x72: {  	p1 =	sne.s32 s22, $0x7C;
	[tilespmem:s18+$0x2D60 ss:$0x21] =	vst.msk $0xffff, v7;
	v7 =	vld.idx.msk [tilespmem:v0+s16+$0xC70 ss:$0x1], $0xffff;
	s16 =	sor.u32 s24, s23  }
0x73: {  	s23 =	sand.u32 $0x3200, s16;
	v9 =	vld.idx.msk [tilespmem:v0+s16+$0x410 ss:$0x1], $0xffff;
	[tilespmem:s18+$0x2F70 ss:$0x21] =	vst.msk $0xffff, v6  }
0x74: {  	s24 =	sand.u32 $0x180, s20;
	s23 =	sadd.s32 s23, s15;
	v6 =	vld.idx.msk [tilespmem:v0+s16+$0x420 ss:$0x1], $0xffff;
	[tilespmem:s18+$0x3390 ss:$0x21] =	vst.msk $0xffff, v3  }
0x75: {  	s23 =	sadd.s32 s24, s23;
	v3 =	vld.idx.msk [tilespmem:v0+s16+$0x430 ss:$0x1], $0xffff;
	[tilespmem:s18+$0x35A0 ss:$0x21] =	vst.msk $0xffff, v1  }
0x76: {  	v1 =	vld [tilespmem:s23+$0xC00];
	[tilespmem:s18+$0x37B0 ss:$0x21] =	vst.msk $0xffff, v2  }
0x77: {  	v2 =	vld [tilespmem:s23+$0x0];
	[tilespmem:s18+$0x39C0 ss:$0x21] =	vst.msk $0xffff, v4  }
0x78: {  	v4 =	vld [tilespmem:s23+$0x10];
	[tilespmem:s18+$0x3BD0 ss:$0x21] =	vst.msk $0xffff, v5  }
0x79: {  	s24 =	sshra.s32 s19, $0x2;
	s19 =	smov.u32 s22;
	v5 =	vld [tilespmem:s23+$0x20];
	[tilespmem:s18+$0x3DE0 ss:$0x21] =	vst.msk $0xffff, v8  }
0x7a: {  	v8 =	vld [tilespmem:s23+$0x30];
	[tilespmem:s18+$0x3FF0 ss:$0x21] =	vst.msk $0xffff, v7;
	s18 =	sadd.s32 s24, s17  }
0x7b: {  	v7 =	vld [tilespmem:s23+$0x40];
	[tilespmem:s18+$0x3180 ss:$0x21] =	vst.msk $0xffff, v1  }
0x7c: {  	[tilespmem:s18+$0x0 ss:$0x21] =	vst.msk $0xffff, v2;
	v1 =	vld [tilespmem:s23+$0x50]  }
0x7d: {  	[tilespmem:s18+$0x210 ss:$0x21] =	vst.msk $0xffff, v4;
	v2 =	vld [tilespmem:s23+$0x60]  }
0x7e: {  	[tilespmem:s18+$0x420 ss:$0x21] =	vst.msk $0xffff, v5;
	v4 =	vld [tilespmem:s23+$0x70]  }
0x7f: {  	[tilespmem:s18+$0x630 ss:$0x21] =	vst.msk $0xffff, v8;
	v5 =	vld [tilespmem:s23+$0x400]  }
0x80: {  	[tilespmem:s18+$0x840 ss:$0x21] =	vst.msk $0xffff, v7;
	v7 =	vld [tilespmem:s23+$0x800]  }
0x81: {  	[tilespmem:s18+$0xA50 ss:$0x21] =	vst.msk $0xffff, v1;
	v1 =	vld.idx.msk [tilespmem:v0+s16+$0x440 ss:$0x1], $0xffff  }
0x82: {  	[tilespmem:s18+$0xC60 ss:$0x21] =	vst.msk $0xffff, v2;
	v2 =	vld.idx.msk [tilespmem:v0+s16+$0x450 ss:$0x1], $0xffff  }
0x83: {  	[tilespmem:s18+$0xE70 ss:$0x21] =	vst.msk $0xffff, v4;
	v4 =	vld.idx.msk [tilespmem:v0+s16+$0x460 ss:$0x1], $0xffff  }
0x84: {  	[tilespmem:s18+$0x1080 ss:$0x21] =	vst.msk $0xffff, v5;
	v5 =	vld.idx.msk [tilespmem:v0+s16+$0x470 ss:$0x1], $0xffff  }
0x85: {  	[tilespmem:s18+$0x2100 ss:$0x21] =	vst.msk $0xffff, v7;
	v8 =	vld.idx.msk [tilespmem:v0+s16+$0x810 ss:$0x1], $0xffff  }
0x86: {  	[tilespmem:s18+$0x1290 ss:$0x21] =	vst.msk $0xffff, v9;
	v9 =	vld.idx.msk [tilespmem:v0+s16+$0x820 ss:$0x1], $0xffff  }
0x87: {  	[tilespmem:s18+$0x14A0 ss:$0x21] =	vst.msk $0xffff, v6;
	v10 =	vld.idx.msk [tilespmem:v0+s16+$0x830 ss:$0x1], $0xffff  }
0x88: {  	[tilespmem:s18+$0x16B0 ss:$0x21] =	vst.msk $0xffff, v3;
	v11 =	vld.idx.msk [tilespmem:v0+s16+$0x840 ss:$0x1], $0xffff  }
0x89: {  	[tilespmem:s18+$0x18C0 ss:$0x21] =	vst.msk $0xffff, v1;
	v12 =	vld.idx.msk [tilespmem:v0+s16+$0x850 ss:$0x1], $0xffff  }
0x8a: {  	[tilespmem:s18+$0x1AD0 ss:$0x21] =	vst.msk $0xffff, v2;
	v7 =	vld.idx.msk [tilespmem:v0+s16+$0x860 ss:$0x1], $0xffff  }
0x8b: {  	[tilespmem:s18+$0x1CE0 ss:$0x21] =	vst.msk $0xffff, v4;
	v6 =	vld.idx.msk [tilespmem:v0+s16+$0x870 ss:$0x1], $0xffff  }
0x8c: {  	[tilespmem:s18+$0x1EF0 ss:$0x21] =	vst.msk $0xffff, v5;
	v3 =	vld.idx.msk [tilespmem:v0+s16+$0xC10 ss:$0x1], $0xffff  }
.Ltmp3:
0x8d: {  	[tilespmem:s18+$0x2310 ss:$0x21] =	vst.msk $0xffff, v8;
	v1 =	vld.idx.msk [tilespmem:v0+s16+$0xC20 ss:$0x1], $0xffff;
	(pc) =	sbr.rel @p1 .LBB1_3-.Ltmp3, $4  }
0x8e: {  	[tilespmem:s18+$0x2520 ss:$0x21] =	vst.msk $0xffff, v9;
	v2 =	vld.idx.msk [tilespmem:v0+s16+$0xC30 ss:$0x1], $0xffff  }
0x8f: {  	[tilespmem:s18+$0x2730 ss:$0x21] =	vst.msk $0xffff, v10;
	v4 =	vld.idx.msk [tilespmem:v0+s16+$0xC40 ss:$0x1], $0xffff  }
0x90: {  	s20 =	sadd.s32 $0x80, s20;
	s21 =	sadd.s32 $0x200, s21;
	[tilespmem:s18+$0x2940 ss:$0x21] =	vst.msk $0xffff, v11;
	v5 =	vld.idx.msk [tilespmem:v0+s16+$0xC50 ss:$0x1], $0xffff  }
0x91: {  	s22 =	sadd.s32 $0x4, s22;
	s24 =	sand.u32 $0x380, s20;
	s23 =	sand.u32 $0x3000, s21;
	[tilespmem:s18+$0x2B50 ss:$0x21] =	vst.msk $0xffff, v12;
	v8 =	vld.idx.msk [tilespmem:v0+s16+$0xC60 ss:$0x1], $0xffff  }
.Ltmp4:
0x92: {  	_ = 	snop;
	(pc) =	sbr.rel .LBB1_4-.Ltmp4, $1  }
0x93: {  	_ =	sdelay $0x3  }
.LBB1_6:
0x94: {  	_ =	sfence.sel $0x180000  }
0x95: {  	s2 =	simm.s32 $0x1;
	[bflag:$0x0] =	sbarrier.arrive $0xFFFF  }
0x96: {  	s31 =	simm.s32 $0x2;
	[sflag:s2] =	ssyncpa.u1 $0x1  }
0x97: {  	[sflag:s31] =	ssyncpa.u1 $0x1  }
0x98: {  	p0 =	sne.s32 s0, $0x0;
	_ =	strace $0x90000047  }
0x99: {  	s0 =	sadd.s32 @!p0 $0x100000, s1;
	[bflag:$0x2] =	sbarrier.arrive $0xFFFF  }
0x9a: {  	[sflag:s0] =	ssyncadd.tile.s32 @!p0 $0x1;
	_ =	shalt  }
.Lfunc_end1:
_tile_overlayer_lowered:
.L_overlay_start_2:
0x9b: {  	(tag) =	ssettag $0x2  }
0x9c: {  	s0 =	rddreg [dreg:$0x0];
	s2 =	stileid.u32  }
0x9d: {  	s1 =	rddreg [dreg:$0x1];
	p0 =	sne.s32 s2, $0x0  }
0x9e: {  	s3 =	rddreg [dreg:$0x2];
	[bflag:$0x3] =	sbarrier.arrive $0xFFFF;
	s2 =	simm.s32 @!p0 $0x1C01  }
0x9f: {  	[timem:s3], [sflag:s2] =	dma.local @!p0 [hbm:s0], s1  }
0xa0: {  	s0 =	simm.s32 @!p0 $0x1  }
0xa1: {  	_ =	swait.ge @!p0 [sflag:s0], s1  }
0xa2: {  	s1 =	ssub.s32 @!p0 $0x0, s1;
	[sflag:s0] =	ssyncset.done @!p0 $0x0  }
0xa3: {  	[sflag:s0] =	ssyncadd.s32 @!p0 s1  }
0xa4: {  	[bflag:$0x3] =	sbarrier.arrive $0xFFFF  }
0xa5: {  	_ =	shalt  }

// kernel: sparse-core-data-format-call.cloned.1.call-start
scs
called_computation_lowered:
.L_overlay_start_0:
0x0: {  	s2 =	sld [smem:$0x3FD9]  }
0x1: {  	s3 =	sld [smem:$0x3FFE];
	_ =	sdelay $0x1  }
0x2: {  	s1 =	srdreg.scid  }
0x3: {  	s0 =	sand.u32 $0x1, s1  }
0x4: {  	s18 =	sshll.u32 s0, $0xA;
	s2 =	sadd.s32 s3, s2  }
0x5: {  	s2 =	sadd.s32 s2, s18  }
0x6: {  	[smem:$0x3FC6] =	sst s2  }
0x7: {  	_ = 	snop  }
0x8: {  	s2 =	sld [smem:$0x3FD0];
	(tm) =	ssettm $0x1  }
0x9: {  	s19 =	sld [smem:$0x3FFB];
	_ =	sdelay $0x3  }
0xa: {  	_ =	strace s19  }
0xb: {  	s3 =	sld [smem:$0x3FFC];
	_ =	sdelay $0x3  }
0xc: {  	_ =	strace s3  }
0xd: {  	s3 =	sld [smem:$0x3FFD];
	_ =	sdelay $0x3  }
0xe: {  	_ =	strace s3  }
0xf: {  	_ =	strace $0x8FFFFFFF  }
0x10: {  	s20 =	sld [smem:$0x3FDB];
	_ =	sdelay $0x1  }
0x11: {  	s4 =	simm.s32 $_scs_section_size  }
0x12: {  	s5 =	simm.s32 $_size__tile_overlayer_lowered;
	s6 =	simm.s32 $_tile_overlayer_lowered  }
0x13: {  	s23 =	simm.s32 $0x1BFF;
	s22 =	sshll.u32 s6, $0x1;
	s3 =	sadd.s32 s4, s20  }
0x14: {  	s7 =	simm.s32 $0x0;
	s21 =	sshll.u32 s5, $0x1;
	s5 =	sadd.s32 s22, s3  }
0x15: {  	[timem:s7], [sflag:s23] =	dma.local [hbm:s5], s21  }
0x16: {  	_ =	swait.ge [sflag:s23], s21  }
0x17: {  	s4 =	ssub.s32 $0x0, s21;
	[sflag:s23] =	ssyncset.done $0x0  }
0x18: {  	[sflag:s23] =	ssyncadd.s32 s4;
	_ =	sdelay $0x1  }
0x19: {  	s24 =	simm.s32 $0x1B8B  }
0x1a: {  	_ =	swait.ge [sflag:s24], $0x1  }
0x1b: {  	[sflag:s24] =	ssyncset.done $0x0  }
0x1c: {  	s26 =	simm.s32 $0x1B8E;
	s25 =	sld [smem:$0x3FFE];
	[sflag:s24] =	ssyncadd.s32 $0xFFFFFFFF  }
0x1d: {  	s27 =	simm.s32 $execute0_lowered;
	[smem:$0x3FD2] =	sst s26  }
0x1e: {  	s5 =	sshll.u32 s27, $0x1;
	_ =	strace $0x8000004C;
	[dreg:$0x1] =	wrdreg $0xFFFFFFFF  }
0x1f: {  	s28 =	simm.s32 $_size_execute0_lowered;
	s3 =	sadd.s32 s3, s5;
	[dreg:$0x0] =	wrdreg $0x0  }
0x20: {  	s5 =	sshll.u32 s28, $0x1;
	[dreg:$0x2] =	wrdreg s3  }
0x21: {  	[dreg:$0x3] =	wrdreg s5  }
0x22: {  	[dreg:$0x4] =	wrdreg $0xC0  }
0x23: {  	_ =	task [dreg:s7], $0x5FFFF  }
0x24: {  	[dreg:$0x1] =	wrdreg $0xFFFFFFFF  }
0x25: {  	[dreg:$0x0] =	wrdreg $0x60  }
0x26: {  	[dreg:$0x2] =	wrdreg s25  }
0x27: {  	[dreg:$0x3] =	wrdreg s2  }
0x28: {  	[dreg:$0x4] =	wrdreg $0x9  }
0x29: {  	_ =	task.clear_ibuf [dreg:s7], $0x5FFFF;
	_ =	strace $0x9000004C  }
0x2a: {  	s29 =	simm.s32 $0x9;
	_ =	strace $0x8000004E  }
0x2b: {  	_ =	swait.ge [sflag:s29], $0x1  }
0x2c: {  	[sflag:s29] =	ssyncadd.s32 $0xFFFFFFFF  }
0x2d: {  	_ =	strace $0x9000004E  }
0x2e: {  	_ =	sfence  }
0x2f: {  	s30 =	sld [smem:$0x0];
	_ =	sdelay $0x2  }
0x30: {  	s31 =	sshll.u32 s1, $0xD;
	s1 =	sshrl.u32 s1, $0x2  }
0x31: {  	s3 =	sand.u32 $0x4000, s31;
	s1 =	sadd.s32 s1, s30  }
0x32: {  	s0 =	sor.u32 s3, s0;
	s1 =	sshll.u32 s1, $0x11  }
0x33: {  	s0 =	sor.u32 s1, s0  }
0x34: {  	s0 =	sadd.s32 $0x8F2B, s0  }
0x35: {  	[sflag:s0] =	ssyncadd.remote.s32 $0x1  }
0x36: {  	_ =	sfence.sel $0xFFFF  }
0x37: {  	[dreg:$0x0] =	wrdreg $0xFFFFFFFF;
	(pc) =	sbr.abs _section_cstart, $3  }
0x38: {  	[dreg:$0x1] =	wrdreg $0xFFFFFFFF  }
0x39: {  	_ =	task.clear_ibuf [dreg:s7], $0x2FFFF;
	_ =	strace $0x9FFFFFFF  }
0x3a: {  	(tm) =	ssettm $0x7FFFFFFF  }
0x3b: {  	_ =	shalt  }
tec
execute0_lowered:
.L_overlay_start_1:
0x0: {  	(tag) =	ssettag $0x1  }
0x1: {  	s0 =	srdreg.scid  }
0x2: {  	s1 =	sshll.u32 s0, $0x4  }
0x3: {  	s6 =	rddreg [dreg:$0x0];
	s0 =	stileid.u32;
	s1 =	sand.u32 $0x10, s1  }
0x4: {  	s3 =	rddreg [dreg:$0x1];
	s1 =	sor.u32 s0, s1  }
0x5: {  	s5 =	simm.s32 $0x1;
	s31 =	simm.s32 $0x2;
	s2 =	sshll.u32 s1, $0x7  }
0x6: {  	s15 =	simm.s32 $0x0;
	s8 =	simm.s32 $0x300000;
	s4 =	ssub.s32 $0x4000, s2  }
0x7: {  	s14 =	simm.s32 $0x0;
	s9 =	simm.s32 $0x0;
	s30 =	sand.u32 $0xF80, s4  }
0x8: {  	s10 =	simm.s32 $0x0;
	s11 =	simm.s32 $0x0;
	p0 =	sne.s32 s30, $0x0  }
.Ltmp0:
0x9: {  	s7 =	sshrl.u32 s4, $0xC;
	s5 =	simm.s32 @!p0 $0x0;
	(pc) =	sbr.rel .LBB1_1-.Ltmp0, $4  }
0xa: {  	s13 =	simm.s32 $0x0;
	s1 =	rddreg [dreg:$0x2];
	s5 =	sadd.s32 s5, s7  }
0xb: {  	_ =	strace $0x8000004D;
	s4 =	simm.s32 $0x1;
	s5 =	smul.u32 $0xC0, s5  }
0xc: {  	s6 =	sadd.s32 $0xC00E00, s6;
	s12 =	smov.u32 s2;
	[sflag:s4] =	ssyncpa.u1 $0x0  }
0xd: {  	[sflag:s31] =	ssyncpa.u1 $0x0;
	p0 =	por $0x0, $0x0;
	s7 =	sor.u32 $0x1, s5  }
.LBB1_4:
0xe: {  	s18 =	sshll.u32 s9, $0xE;
	s19 =	sand.u32 $0x78, s10;
	s20 =	sshll.u32 s10, $0x3  }
0xf: {  	s22 =	sshll.u32 s9, $0x7;
	p1 =	sgt.s32 s9, $0xBF;
	s25 =	sshra.s32 s9, $0x1F  }
0x10: {  	s23 =	smov.u32 s10;
	s24 =	sshra.s32 s10, $0x1F;
	s29 =	sand.u32 $0x7, s10  }
0x11: {  	s18 =	sand.u32 $0xFFFE0000, s18;
	s21 =	sand.u32 $0xFFFFFC00, s20;
	s20 =	sand.u32 $0x3C00, s20  }
0x12: {  	s30 =	sand.u32 $0x380, s22;
	s22 =	sand.u32 s25, s9;
	s18 =	sadd.s32 s21, s18  }
0x13: {  	s19 =	sor.u32 s19, s20;
	s20 =	smov.u32 s9;
	s18 =	sshrl.u32 s18, $0xE  }
0x14: {  	s20 =	simm.s32 @!p1 $0xBF;
	p1 =	sgt.s32 s10, $0x3F80;
	s31 =	smulhi.u32 $0x1555556, s18  }
0x15: {  	s26 =	sand.u32 s24, s10;
	s20 =	ssub.s32 s20, s22;
	s23 =	simm.s32 @!p1 $0x3F80  }
0x16: {  	s27 =	ssub.s32 $0xC0, s20;
	s22 =	ssub.s32 s23, s26;
	s21 =	smul.u32 $0xC0, s31  }
0x17: {  	s20 =	sadd.s32 $0xFFFFFF41, s20;
	s23 =	smul.u32 $0x1C, s27;
	s28 =	sadd.s32 $0xFFFFC080, s22  }
0x18: {  	p1 =	sgt.s32 s20, $0x0;
	s20 =	ssub.s32 $0x4000, s22;
	p2 =	sgt.s32 s28, $0x7F  }
0x19: {  	s19 =	sor.u32 s30, s19;
	s23 =	simm.s32 @p1 $0x0;
	s20 =	simm.s32 @p2 $0x0  }
0x1a: {  	s19 =	sshrl.u32 s19, $0x3;
	s18 =	ssub.s32 s18, s21;
	s20 =	smul.u32 s20, s23  }
0x1b: {  	s19 =	sadd.s32 s3, s19;
	s21 =	sshll.u32 s29, $0x12;
	s18 =	sshll.u32 s18, $0xB  }
0x1c: {  	[tilespmem:s17+$0x0 ss:$0x81] =	vst.msk $0xffff, v0;
	s31 =	sor.u32 $0x80, s21;
	s18 =	sadd.s32 s18, s19;
	s30 =	sand.u32 $0x3FFFFFFC, s20  }
0x1d: {  	[hbm4b:s18+s31] =	stream.strided.scatter [tilespmem:s16], [sflag:$0x2], s30, s8, s31, $0x20;
	[tilespmem:$0x4040] =	vst v63  }
.LBB1_5:
0x1e: {  	p1 =	slt.u32 s13, $0x2  }
0x1f: {  	s17 =	smov.u32 s15;
	p2 =	sgt.s32 @!p1 s15, $0xBF;
	s16 =	sshra.s32 @!p1 s15, $0x1F  }
0x20: {  	p3 =	sgt.s32 @!p1 s14, $0x3F80;
	s18 =	sshra.s32 @!p1 s14, $0x1F;
	p2 =	por !p2, p1  }
0x21: {  	s15 =	sand.u32 @!p1 s16, s15;
	p3 =	por !p3, p1;
	s16 =	smov.u32 s14  }
0x22: {  	s14 =	sand.u32 @!p1 s18, s14;
	s17 =	simm.s32 @p2 $0xBF;
	s16 =	simm.s32 @p3 $0x3F80  }
0x23: {  	s18 =	smov.u32 s12;
	s15 =	ssub.s32 @!p1 s17, s15;
	s14 =	ssub.s32 @!p1 s16, s14  }
0x24: {  	s16 =	sadd.s32 @!p1 $0xFFFFFF41, s15;
	s15 =	ssub.s32 @!p1 $0xC0, s15;
	s17 =	sadd.s32 @!p1 $0xFFFFC080, s14  }
0x25: {  	p2 =	sgt.s32 @!p1 s16, $0x0;
	s15 =	smul.u32 @!p1 $0x1C, s15;
	p3 =	sgt.s32 @!p1 s17, $0x7F  }
0x26: {  	s14 =	ssub.s32 @!p1 $0x4000, s14;
	p2 =	por !p2, p1;
	p3 =	por !p3, p1  }
0x27: {  	s16 =	sadd.s32 $0x1, s11;
	s15 =	simm.s32 @!p2 $0x0;
	s14 =	simm.s32 @!p3 $0x0  }
0x28: {  	p2 =	sgt.s32 s16, $0xBF;
	s14 =	smul.u32 @!p1 s14, s15;
	s15 =	sadd.s32 $0x1000, s12  }
0x29: {  	s18 =	smov.u32 @p2 s15  }
0x2a: {  	s16 =	simm.s32 @p2 $0x0;
	p2 =	sgt.s32 s18, $0x3FFF  }
0x2b: {  	s18 =	smov.u32 @p2 s2;
	p2 =	sne.s32 s13, s7  }
.Ltmp1:
0x2c: {  	p0 =	por !p0, !p0;
	s17 =	simm.s32 @!p1 $0x2;
	(pc) =	sbr.rel @!p2 .LBB1_6-.Ltmp1, $4  }
0x2d: {  	s15 =	smov.u32 s9;
	s9 =	smov.u32 s11;
	s14 =	sand.u32 @!p1 $0x3FFFFFFC, s14  }
0x2e: {  	s11 =	smov.u32 s16;
	_ =	swait.ge @!p1 [sflag:s17], s14;
	s19 =	ssub.s32 @!p1 $0x0, s14  }
0x2f: {  	s14 =	smov.u32 s10;
	s13 =	sadd.s32 $0x1, s13;
	[sflag:s17] =	ssyncset.done @!p1 $0x0  }
0x30: {  	s10 =	smov.u32 s12;
	s12 =	smov.u32 s18;
	[sflag:s17] =	ssyncadd.s32 @!p1 s19  }
.LBB1_1:
0x31: {  	p1 =	sge.u32 s13, s5  }
0x32: {  	s16 =	sand.u32 @!p1 $0x1FFFFFF, s11  }
0x33: {  	s17 =	smulhi.u32 @!p1 $0x1555556, s16;
	_ =	sdelay $0x1  }
0x34: {  	s17 =	smul.u32 @!p1 $0xC0, s17  }
0x35: {  	s18 =	sxor.u32 @!p1 $0xFFFFFFFF, s13;
	s19 =	smul.u32 @!p1 $0xC00, s12  }
0x36: {  	s31 =	sadd.s32 $0xFFFFFFFF, s13;
	s18 =	sshll.u32 @!p1 s18, $0xC;
	s16 =	ssub.s32 @!p1 s16, s17  }
0x37: {  	s17 =	sand.u32 @!p1 $0x1000, s18;
	s18 =	sadd.s32 @!p1 s6, s19;
	s16 =	sshll.u32 @!p1 s16, $0x4  }
0x38: {  	s19 =	simm.s32 @!p1 $0x6000;
	s16 =	sadd.s32 @!p1 s16, s18;
	s18 =	simm.s32 @!p1 $0x20  }
0x39: {  	[tilespmem:s17], [sflag:$0x1] =	stream.strided.gather @!p1 [hbm4b:s16+s18], $0x1000, s19, s18, $0x38;
	[tilespmem:$0x4040] =	vst v63  }
0x3a: {  	p1 =	sge.u32 s31, s5  }
.Ltmp2:
0x3b: {  	_ = 	snop;
	(pc) =	sbr.rel @p1 .LBB1_5-.Ltmp2, $1  }
0x3c: {  	_ =	sdelay $0x3  }
0x3d: {  	s16 =	simm.s32 $0x1  }
0x3e: {  	_ =	swait.ge [sflag:s4], $0x1000;
	s16 =	simm.s32 @!p0 $0x0  }
0x3f: {  	[sflag:s4] =	ssyncset.done $0x0;
	s17 =	sshll.u32 s16, $0xC  }
0x40: {  	[sflag:s4] =	ssyncadd.s32 $0xFFFFF000;
	s20 =	sor.u32 $0x10, s17  }
0x41: {  	s16 =	smul.u32 $0x4080, s16;
	v1 =	vld [tilespmem:s20+$0x0]  }
0x42: {  	s30 =	sand.u32 $0x1, s13;
	v0 =	vld [tilespmem:s20+$0xFFFFFFF0]  }
0x43: {  	s17 =	smul.u32 $0x4080, s30;
	s16 =	sshrl.u32 s16, $0x2  }
0x44: {  	s18 =	sor.u32 $0x2000, s16  }
0x45: {  	s31 =	sshrl.u32 s17, $0x2;
	s17 =	sadd.s32 $0x0, s18  }
0x46: {  	s19 =	simm.s32 $0x4;
	s20 =	sadd.s32 $0x20, s20;
	s16 =	sor.u32 $0x2000, s31;
	[tilespmem:s17+$0x810 ss:$0x81] =	vst.msk $0xffff, v1  }
.LBB1_3:
0x47: {  	v1 =	vld [tilespmem:s20+$0x0];
	p1 =	sne.s32 s19, $0x1FC;
	[tilespmem:s17+$0x0 ss:$0x81] =	vst.msk $0xffff, v0;
	s17 =	smov.u32 s19;
	s19 =	sadd.s32 $0x4, s19  }
.Ltmp3:
0x48: {  	v0 =	vld [tilespmem:s20+$0xFFFFFFF0];
	(pc) =	sbr.rel @p1 .LBB1_3-.Ltmp3, $4  }
0x49: {  	_ = 	snop  }
0x4a: {  	s17 =	sshra.s32 s17, $0x2  }
0x4b: {  	s17 =	sadd.s32 s17, s18  }
0x4c: {  	s20 =	sadd.s32 $0x20, s20;
	[tilespmem:s17+$0x810 ss:$0x81] =	vst.msk $0xffff, v1  }
.Ltmp4:
0x4d: {  	_ = 	snop;
	(pc) =	sbr.rel .LBB1_4-.Ltmp4, $1  }
0x4e: {  	_ =	sdelay $0x3  }
.LBB1_6:
0x4f: {  	_ =	sfence.sel $0x180000  }
0x50: {  	s2 =	simm.s32 $0x1;
	[bflag:$0x0] =	sbarrier.arrive $0xFFFF  }
0x51: {  	s31 =	simm.s32 $0x2;
	[sflag:s2] =	ssyncpa.u1 $0x1  }
0x52: {  	[sflag:s31] =	ssyncpa.u1 $0x1  }
0x53: {  	p0 =	sne.s32 s0, $0x0;
	_ =	strace $0x9000004D  }
0x54: {  	s0 =	sadd.s32 @!p0 $0x100000, s1;
	[bflag:$0x2] =	sbarrier.arrive $0xFFFF  }
0x55: {  	[sflag:s0] =	ssyncadd.tile.s32 @!p0 $0x1;
	_ =	shalt  }
.Lfunc_end1:
_tile_overlayer_lowered:
.L_overlay_start_2:
0x56: {  	(tag) =	ssettag $0x2  }
0x57: {  	s0 =	rddreg [dreg:$0x0];
	s2 =	stileid.u32  }
0x58: {  	s1 =	rddreg [dreg:$0x1];
	p0 =	sne.s32 s2, $0x0  }
0x59: {  	s3 =	rddreg [dreg:$0x2];
	[bflag:$0x3] =	sbarrier.arrive $0xFFFF;
	s2 =	simm.s32 @!p0 $0x1C01  }
0x5a: {  	[timem:s3], [sflag:s2] =	dma.local @!p0 [hbm:s0], s1  }
0x5b: {  	s0 =	simm.s32 @!p0 $0x1  }
0x5c: {  	_ =	swait.ge @!p0 [sflag:s0], s1  }
0x5d: {  	s1 =	ssub.s32 @!p0 $0x0, s1;
	[sflag:s0] =	ssyncset.done @!p0 $0x0  }
0x5e: {  	[sflag:s0] =	ssyncadd.s32 @!p0 s1  }
0x5f: {  	[bflag:$0x3] =	sbarrier.arrive $0xFFFF  }
0x60: {  	_ =	shalt  }

</sc_bundles>
